<compile_context>
chip_gen: v7x
topology: tpu7x:2x2x1
jax: 0.10.2.dev20260603
libtpu: 0.0.44.dev20260713+nightly
codegen_flags: <defaults>
</compile_context>

<pallas_src>
import functools
import jax
import jax.numpy as jnp
from jax import lax
from jax.experimental import pallas as pl
from jax.experimental.pallas import tpu as pltpu
from jax.experimental.pallas import tpu_sc as plsc

IMAGE_H = 400
IMAGE_W = 400
N_RAYS = 1024
N_PTS = 64
MIN_DEPTH = 0.1
MAX_DEPTH = 10.0
NBLK = 25


def _prep_body(mask_hbm, rowcdf_ref, bext_ref, x_vmem, dma_sem):
    b = pl.program_id(0)
    cp = pltpu.make_async_copy(mask_hbm.at[b, :, pl.ds(0, 896)], x_vmem, dma_sem)
    cp.start()
    cp.wait()
    x = x_vmem[...]
    lane = lax.broadcasted_iota(jnp.int32, (IMAGE_H, 896), 1)
    xm = jnp.where(((lane % 2) == 0) & (lane < 800), x, 0.0)

    s_i = lax.broadcasted_iota(jnp.int32, (896, NBLK), 0)
    s_j = lax.broadcasted_iota(jnp.int32, (896, NBLK), 1)
    sel = ((s_i // 32) == s_j).astype(jnp.float32)
    bsum = lax.dot_general(
        xm, sel, (((1,), (0,)), ((), ())),
        preferred_element_type=jnp.float32, precision=lax.Precision.HIGHEST,
    )

    u_i = lax.broadcasted_iota(jnp.int32, (NBLK, NBLK), 0)
    u_j = lax.broadcasted_iota(jnp.int32, (NBLK, NBLK), 1)
    upper = (u_i <= u_j).astype(jnp.float32)
    bpre = lax.dot_general(
        bsum, upper, (((1,), (0,)), ((), ())),
        preferred_element_type=jnp.float32, precision=lax.Precision.HIGHEST,
    )
    rowsum = bpre[:, NBLK - 1 : NBLK]

    r_i = lax.broadcasted_iota(jnp.int32, (IMAGE_H, IMAGE_H), 0)
    r_j = lax.broadcasted_iota(jnp.int32, (IMAGE_H, IMAGE_H), 1)
    l_incl = (r_i <= r_j).astype(jnp.float32)
    l_excl = (r_i < r_j).astype(jnp.float32)
    rowcdf_row = lax.dot_general(
        rowsum, l_incl, (((0,), (0,)), ((), ())),
        preferred_element_type=jnp.float32, precision=lax.Precision.HIGHEST,
    )
    rowprev_row = lax.dot_general(
        rowsum, l_excl, (((0,), (0,)), ((), ())),
        preferred_element_type=jnp.float32, precision=lax.Precision.HIGHEST,
    )
    rowprev_col = jnp.transpose(rowprev_row)

    rowcdf_ref[0] = rowcdf_row
    bext_ref[0] = jnp.concatenate([rowprev_col, bpre + rowprev_col], axis=1)


def _tc_prep(mr, B):
    return pl.pallas_call(
        _prep_body,
        grid=(B,),
        in_specs=[pl.BlockSpec(memory_space=pl.ANY)],
        out_specs=[
            pl.BlockSpec((1, 1, IMAGE_H), lambda b: (b, 0, 0)),
            pl.BlockSpec((1, IMAGE_H, 26), lambda b: (b, 0, 0)),
        ],
        out_shape=[
            jax.ShapeDtypeStruct((B, 1, IMAGE_H), jnp.float32),
            jax.ShapeDtypeStruct((B, IMAGE_H, 26), jnp.float32),
        ],
        scratch_shapes=[
            pltpu.VMEM((IMAGE_H, 896), jnp.float32),
            pltpu.SemaphoreType.DMA,
        ],
    )(mr)


def _sc_search(rowcdf1d, bext1d, table, u1d, B):
    mesh = plsc.VectorSubcoreMesh(core_axis_name="c", subcore_axis_name="s")
    RPW = 512

    @functools.partial(
        pl.kernel,
        mesh=mesh,
        out_type=jax.ShapeDtypeStruct((B * N_RAYS,), jnp.int32),
        compiler_params=pltpu.CompilerParams(
            use_tc_tiling_on_sc=False, needs_layout_passes=False
        ),
        scratch_types=[
            pltpu.VMEM((IMAGE_H,), jnp.float32),
            pltpu.VMEM((IMAGE_H * 26,), jnp.float32),
            pltpu.VMEM((RPW,), jnp.float32),
            pltpu.VMEM((4, 128), jnp.int32),
            pltpu.VMEM((4, 128, 32), jnp.float32),
            pltpu.VMEM((RPW,), jnp.int32),
            pltpu.VMEM((RPW,), jnp.int32),
            pltpu.VMEM((RPW,), jnp.float32),
            pltpu.VMEM((RPW,), jnp.float32),
            pltpu.VMEM((RPW,), jnp.int32),
            pltpu.SemaphoreType.DMA,
        ],
    )
    def k(rowcdf_hbm, bext_hbm, table_hbm, u_hbm, out_hbm,
          rowcdf_v, bext_v, u_v, cidx_v, chunks_v, rows_v, cbase_v,
          prev_v, vv_v, out_v, sem):
        wid = lax.axis_index("s") * 2 + lax.axis_index("c")
        cam = lax.shift_right_logical(wid, 1)
        pltpu.sync_copy(rowcdf_hbm.at[pl.ds(cam * IMAGE_H, IMAGE_H)], rowcdf_v)
        pltpu.sync_copy(bext_hbm.at[pl.ds(cam * (IMAGE_H * 26), IMAGE_H * 26)],
                        bext_v)
        pltpu.sync_copy(u_hbm.at[pl.ds(wid * RPW, RPW)], u_v)

        total_idx = jnp.full((16,), IMAGE_H - 1, jnp.int32)
        total = plsc.load_gather(rowcdf_v, [total_idx])
        cam_base = cam * 20000

        def search_body(i, _):
            off = pl.multiple_of(i * 16, 16)
            sl = pl.ds(off, 16)
            uu = u_v[sl]
            v = uu * total

            lo = jnp.zeros((16,), jnp.int32)
            for step in (256, 128, 64, 32, 16, 8, 4, 2, 1):
                probe = lo + (step - 1)
                pc = jnp.minimum(probe, IMAGE_H - 1)
                val = plsc.load_gather(rowcdf_v, [pc])
                cond = (probe < IMAGE_H) & (val < v)
                lo = lo + jnp.where(cond, step, 0)
            row = jnp.minimum(lo, IMAGE_H - 1)

            base = row * 26
            bo = jnp.zeros((16,), jnp.int32)
            for step in (16, 8, 4, 2, 1):
                probe = bo + (step - 1)
                pc = jnp.minimum(probe, NBLK - 1)
                val = plsc.load_gather(bext_v, [base + 1 + pc])
                cond = (probe < NBLK) & (val < v)
                bo = bo + jnp.where(cond, step, 0)
            blk = jnp.minimum(bo, NBLK - 1)
            prev = plsc.load_gather(bext_v, [base + blk])

            rows_v[sl] = row
            cbase_v[sl] = blk * 16
            prev_v[sl] = prev
            vv_v[sl] = v
            j = lax.shift_right_logical(i, 3)
            joff = pl.multiple_of((i & 7) * 16, 16)
            cidx_v[j, pl.ds(joff, 16)] = cam_base + row * 50 + blk
            return 0

        lax.fori_loop(0, RPW // 16, search_body, 0)

        copies = [
            pltpu.async_copy(table_hbm.at[cidx_v.at[j]], chunks_v.at[j], sem)
            for j in range(4)
        ]
        for c in copies:
            c.wait()

        lane = lax.iota(jnp.int32, 16)

        def count_body(i, _):
            off = pl.multiple_of(i * 16, 16)
            sl = pl.ds(off, 16)
            row = rows_v[sl]
            cbase = cbase_v[sl]
            prev = prev_v[sl]
            v = vv_v[sl]
            slot = lane + (i & 7) * 16
            jv = jnp.zeros((16,), jnp.int32) + lax.shift_right_logical(i, 3)
            acc = jnp.zeros((16,), jnp.float32)
            cnt = jnp.zeros((16,), jnp.int32)
            for kk in range(16):
                elem = jnp.full((16,), 2 * kk, jnp.int32)
                val = plsc.load_gather(chunks_v, [jv, slot, elem])
                acc = acc + val
                cnt = cnt + jnp.where((prev + acc) < v, 1, 0)
            col = jnp.minimum(cbase + cnt, IMAGE_W - 1)
            out_v[sl] = row * IMAGE_W + col
            return 0

        lax.fori_loop(0, RPW // 16, count_body, 0)

        pltpu.sync_copy(out_v, out_hbm.at[pl.ds(wid * RPW, RPW)])

    return k(rowcdf1d, bext1d, table, u1d)


def _fin_body(idx_ref, R_ref, p_ref, o_ref):
    idx = idx_ref[0]
    row = (idx // IMAGE_W).astype(jnp.float32)
    col = (idx % IMAGE_W).astype(jnp.float32)

    half_x = 1.0 / IMAGE_W
    half_y = 1.0 / IMAGE_H
    step_x = jnp.float32((-1.0 + half_x - (1.0 - half_x)) / (IMAGE_W - 1))
    step_y = jnp.float32((-1.0 + half_y - (1.0 - half_y)) / (IMAGE_H - 1))
    xx = jnp.float32(1.0 - half_x) + col * step_x
    yy = jnp.float32(1.0 - half_y) + row * step_y

    fx = p_ref[0, 0, 3]; fy = p_ref[0, 0, 4]
    ppx = p_ref[0, 0, 5]; ppy = p_ref[0, 0, 6]
    d0 = (xx - ppx) / fx
    d1 = (yy - ppy) / fy
    R00 = R_ref[0, 0, 0]; R01 = R_ref[0, 0, 1]; R02 = R_ref[0, 0, 2]
    R10 = R_ref[0, 1, 0]; R11 = R_ref[0, 1, 1]; R12 = R_ref[0, 1, 2]
    R20 = R_ref[0, 2, 0]; R21 = R_ref[0, 2, 1]; R22 = R_ref[0, 2, 2]
    w0 = d0 * R00 + d1 * R01 + R02
    w1 = d0 * R10 + d1 * R11 + R12
    w2 = d0 * R20 + d1 * R21 + R22
    inv = lax.rsqrt(w0 * w0 + w1 * w1 + w2 * w2)

    t0 = p_ref[0, 0, 0]; t1 = p_ref[0, 0, 1]; t2 = p_ref[0, 0, 2]
    o0 = -(t0 * R00 + t1 * R01 + t2 * R02)
    o1 = -(t0 * R10 + t1 * R11 + t2 * R12)
    o2 = -(t0 * R20 + t1 * R21 + t2 * R22)
    ones = jnp.ones((N_RAYS, 1), jnp.float32)

    d_iota = lax.broadcasted_iota(jnp.int32, (N_RAYS, N_PTS), 1).astype(jnp.float32)
    d_step = jnp.float32((MAX_DEPTH - MIN_DEPTH) / (N_PTS - 1))
    lengths = jnp.float32(MIN_DEPTH) + d_iota * d_step

    o_ref[0] = jnp.concatenate(
        [o0 * ones, o1 * ones, o2 * ones, w0 * inv, w1 * inv, w2 * inv,
         lengths, xx, yy],
        axis=1,
    )


def _tc_finalize(idx, R, params, B):
    return pl.pallas_call(
        _fin_body,
        grid=(B,),
        in_specs=[
            pl.BlockSpec((1, N_RAYS, 1), lambda b: (b, 0, 0)),
            pl.BlockSpec((1, 3, 3), lambda b: (b, 0, 0)),
            pl.BlockSpec((1, 1, 8), lambda b: (b, 0, 0)),
        ],
        out_specs=pl.BlockSpec((1, N_RAYS, 72), lambda b: (b, 0, 0)),
        out_shape=jax.ShapeDtypeStruct((B, N_RAYS, 72), jnp.float32),
    )(idx.reshape(B, N_RAYS, 1), R, params)


def kernel(mask, R, T, focal, principal_point):
    B = mask.shape[0]
    mr = mask[:, 0].reshape(B, IMAGE_H, 1600)
    u = jax.random.uniform(jax.random.key(42), (B, N_RAYS), dtype=jnp.float32)
    params = jnp.concatenate(
        [T, focal, principal_point, jnp.zeros((B, 1), jnp.float32)], axis=1
    ).reshape(B, 1, 8)

    rowcdf3, bext = _tc_prep(mr, B)
    rowcdf1d = rowcdf3.reshape(B * IMAGE_H)
    bext1d = bext.reshape(B * IMAGE_H * 26)
    table = mask.reshape(B * 20000, 32)
    idx = _sc_search(rowcdf1d, bext1d, table, u.reshape(B * N_RAYS), B)
    return _tc_finalize(idx.reshape(B, N_RAYS), R, params, B)

# --- scband reference (transcript-rebuilt; emitter-appended) ---
"""Pipeline reference for scband-abstract-mask-ray-sampler-61040075211194 (READ-ONLY COPY).

The authoritative reference and input builder live on the scoring server;
editing this copy changes nothing except your own understanding.
"""

import jax, jax.numpy as jnp
import numpy as np

IMAGE_H = 400
IMAGE_W = 400
N_RAYS = 1024
N_PTS = 64
MIN_DEPTH = 0.1
MAX_DEPTH = 10.0


def setup_inputs(seed: int = 0) -> dict:
    key = jax.random.key(seed)
    k1, k2, k3, k4, k5 = jax.random.split(key, 5)
    B = 16
    mask = jax.random.uniform(k1, (B, 1, 800, 800), dtype=jnp.float32)
    R = jax.random.normal(k2, (B, 3, 3), dtype=jnp.float32)
    T = jax.random.normal(k3, (B, 3), dtype=jnp.float32)
    focal = jax.random.uniform(k4, (B, 2), dtype=jnp.float32) + 0.5
    principal_point = jax.random.normal(k5, (B, 2), dtype=jnp.float32) * 0.1
    return {"mask": mask, "R": R, "T": T, "focal": focal, "principal_point": principal_point}


def _nearest_resize(m, H, W):
    # torch F.interpolate(mode='nearest') semantics: src = floor(dst * in/out)
    B, in_h, in_w = m.shape
    rows = (jnp.arange(H) * in_h // H).astype(jnp.int32)
    cols = (jnp.arange(W) * in_w // W).astype(jnp.int32)
    return m[:, rows][:, :, cols]


def _forward(mask, R, T, focal, principal_point):
    B = mask.shape[0]
    # mask interpolation to the raysampler grid (nearest), drop channel dim
    sample_mask = _nearest_resize(mask[:, 0], IMAGE_H, IMAGE_W)  # [B,H,W]
    # NDC pixel-center grid (PyTorch3D convention: x,y in [-1,1], descending)
    half_x = 1.0 / IMAGE_W
    half_y = 1.0 / IMAGE_H
    xs = jnp.linspace(1.0 - half_x, -1.0 + half_x, IMAGE_W, dtype=jnp.float32)
    ys = jnp.linspace(1.0 - half_y, -1.0 + half_y, IMAGE_H, dtype=jnp.float32)
    grid_y, grid_x = jnp.meshgrid(ys, xs, indexing="ij")
    xy_grid = jnp.stack([grid_x, grid_y], axis=-1).reshape(-1, 2)  # [H*W, 2]
    # multinomial ray sampling proportional to mask values (MASK_SAMPLE mode)
    probs = sample_mask.reshape(B, -1)
    probs = probs / jnp.clip(jnp.sum(probs, axis=-1, keepdims=True), 1e-12)
    cdf = jnp.cumsum(probs, axis=-1)
    skey = jax.random.key(42)
    u = jax.random.uniform(skey, (B, N_RAYS), dtype=jnp.float32)
    idx = jax.vmap(lambda c, uu: jnp.searchsorted(c, uu))(cdf, u)  # [B, N_RAYS]
    idx = jnp.clip(idx, 0, IMAGE_H * IMAGE_W - 1)
    xys = xy_grid[idx]  # [B, N_RAYS, 2] gather of sampled pixel NDC coords
    # unproject NDC points at unit depth -> ray directions in world coords
    dir_cam = jnp.concatenate(
        [
            (xys - principal_point[:, None, :]) / focal[:, None, :],
            jnp.ones((B, N_RAYS, 1), dtype=jnp.float32),
        ],
        axis=-1,
    )  # [B, N_RAYS, 3]
    dir_world = jnp.einsum("bnj,bkj->bnk", dir_cam, R)
    directions = dir_world / jnp.linalg.norm(dir_world, axis=-1, keepdims=True)  # unit_directions=True
    # camera centers: X_cam = X_world @ R + T  =>  center = -T @ R^T
    origins = -jnp.einsum("bj,bkj->bk", T, R)
    origins = jnp.broadcast_to(origins[:, None, :], (B, N_RAYS, 3))
    # depths along each ray (stratified_sampling=False -> deterministic linspace)
    depths = jnp.linspace(MIN_DEPTH, MAX_DEPTH, N_PTS, dtype=jnp.float32)
    lengths = jnp.broadcast_to(depths[None, None, :], (B, N_RAYS, N_PTS))
    # ray bundle packed as [origins | directions | lengths | xys]
    return jnp.concatenate([origins, directions, lengths, xys], axis=-1)


def reference(mask, R, T, focal, principal_point):
    return _forward(mask, R, T, focal, principal_point)

if __name__ == "__main__":
    import jax
    _d = setup_inputs()
    print(jax.jit(kernel)(*tuple(_d.values())))

</pallas_src>

<mosaic_0001>
#map = affine_map<(d0, d1) -> (0)>
#map1 = affine_map<(d0, d1) -> (0, 0)>
module attributes {stable_mosaic.version = 14 : i64} {
  func.func @k(%arg0: i32, %arg1: i32, %arg2: memref<6400xf32, #tpu.memory_space<hbm>>, %arg3: memref<166400xf32, #tpu.memory_space<hbm>>, %arg4: memref<320000x32xf32, #tpu.memory_space<hbm>>, %arg5: memref<16384xf32, #tpu.memory_space<hbm>>, %arg6: memref<16384xi32, #tpu.memory_space<hbm>>, %arg7: memref<400xf32, #tpu.memory_space<vmem>>, %arg8: memref<10400xf32, #tpu.memory_space<vmem>>, %arg9: memref<512xf32, #tpu.memory_space<vmem>>, %arg10: memref<4x128xi32, #tpu.memory_space<vmem>>, %arg11: memref<4x128x32xf32, #tpu.memory_space<vmem>>, %arg12: memref<512xi32, #tpu.memory_space<vmem>>, %arg13: memref<512xi32, #tpu.memory_space<vmem>>, %arg14: memref<512xf32, #tpu.memory_space<vmem>>, %arg15: memref<512xf32, #tpu.memory_space<vmem>>, %arg16: memref<512xi32, #tpu.memory_space<vmem>>, %arg17: memref<!tpu.dma_semaphore, #tpu.memory_space<semaphore_mem>>) attributes {dimension_semantics = [#tpu.dimension_semantics<core_parallel>, #tpu.dimension_semantics<subcore_parallel>], iteration_bounds = array<i64: 2, 16>, scalar_prefetch = 0 : i64, scratch_operands = 11 : i64, tpu.core_type = #tpu.core_type<sc_vector_subcore>, window_params = [{transform_indices = #map}, {transform_indices = #map}, {transform_indices = #map1}, {transform_indices = #map}, {transform_indices = #map}]} {
    %mul3A = arith.constant 2 : i32
    %mul3A_0 = arith.muli %arg1, %mul3A : i32
    %add3A = arith.addi %mul3A_0, %arg0 : i32
    %shift_right_logical3A = arith.constant 1 : i32
    %shift_right_logical3A_1 = arith.shrui %add3A, %shift_right_logical3A : i32
    %mul3A_2 = arith.constant 400 : i32
    %mul3A_3 = arith.muli %shift_right_logical3A_1, %mul3A_2 : i32
    "tpu.region"() ({
      %run_scoped3A = tpu.sem_alloc : memref<!tpu.dma_semaphore, #tpu.memory_space<semaphore_mem>>
      %dma_start3A_120 = tpu.memref_slice %arg2[%mul3A_3] : memref<6400xf32, #tpu.memory_space<hbm>> -> memref<400xf32, #tpu.memory_space<hbm>>
      %dma_start3A_121 = tpu.memref_slice %arg2[%mul3A_3] : memref<6400xf32, #tpu.memory_space<hbm>> -> memref<400xf32, #tpu.memory_space<hbm>>
      tpu.enqueue_dma source(%dma_start3A_121 : memref<400xf32, #tpu.memory_space<hbm>>) target(%arg7 : memref<400xf32, #tpu.memory_space<vmem>>) target_semaphore(%run_scoped3A : memref<!tpu.dma_semaphore, #tpu.memory_space<semaphore_mem>>)
      %dma_wait3A_122 = tpu.memref_slice %arg2[%mul3A_3] : memref<6400xf32, #tpu.memory_space<hbm>> -> memref<400xf32, #tpu.memory_space<hbm>>
      %dma_wait3A_123 = tpu.memref_slice %arg2[%mul3A_3] : memref<6400xf32, #tpu.memory_space<hbm>> -> memref<400xf32, #tpu.memory_space<hbm>>
      tpu.wait_dma2 semaphore(%run_scoped3A : memref<!tpu.dma_semaphore, #tpu.memory_space<semaphore_mem>>) src(%dma_wait3A_123 : memref<400xf32, #tpu.memory_space<hbm>>) dst(%arg7 : memref<400xf32, #tpu.memory_space<vmem>>)
      tpu.yield
    }) : () -> ()
    %mul3A_4 = arith.constant 10400 : i32
    %mul3A_5 = arith.muli %shift_right_logical3A_1, %mul3A_4 : i32
    "tpu.region"() ({
      %run_scoped3A = tpu.sem_alloc : memref<!tpu.dma_semaphore, #tpu.memory_space<semaphore_mem>>
      %dma_start3A_120 = tpu.memref_slice %arg3[%mul3A_5] : memref<166400xf32, #tpu.memory_space<hbm>> -> memref<10400xf32, #tpu.memory_space<hbm>>
      %dma_start3A_121 = tpu.memref_slice %arg3[%mul3A_5] : memref<166400xf32, #tpu.memory_space<hbm>> -> memref<10400xf32, #tpu.memory_space<hbm>>
      tpu.enqueue_dma source(%dma_start3A_121 : memref<10400xf32, #tpu.memory_space<hbm>>) target(%arg8 : memref<10400xf32, #tpu.memory_space<vmem>>) target_semaphore(%run_scoped3A : memref<!tpu.dma_semaphore, #tpu.memory_space<semaphore_mem>>)
      %dma_wait3A_122 = tpu.memref_slice %arg3[%mul3A_5] : memref<166400xf32, #tpu.memory_space<hbm>> -> memref<10400xf32, #tpu.memory_space<hbm>>
      %dma_wait3A_123 = tpu.memref_slice %arg3[%mul3A_5] : memref<166400xf32, #tpu.memory_space<hbm>> -> memref<10400xf32, #tpu.memory_space<hbm>>
      tpu.wait_dma2 semaphore(%run_scoped3A : memref<!tpu.dma_semaphore, #tpu.memory_space<semaphore_mem>>) src(%dma_wait3A_123 : memref<10400xf32, #tpu.memory_space<hbm>>) dst(%arg8 : memref<10400xf32, #tpu.memory_space<vmem>>)
      tpu.yield
    }) : () -> ()
    %mul3A_6 = arith.constant 512 : i32
    %mul3A_7 = arith.muli %add3A, %mul3A_6 : i32
    "tpu.region"() ({
      %run_scoped3A = tpu.sem_alloc : memref<!tpu.dma_semaphore, #tpu.memory_space<semaphore_mem>>
      %dma_start3A_120 = tpu.memref_slice %arg5[%mul3A_7] : memref<16384xf32, #tpu.memory_space<hbm>> -> memref<512xf32, #tpu.memory_space<hbm>>
      %dma_start3A_121 = tpu.memref_slice %arg5[%mul3A_7] : memref<16384xf32, #tpu.memory_space<hbm>> -> memref<512xf32, #tpu.memory_space<hbm>>
      tpu.enqueue_dma source(%dma_start3A_121 : memref<512xf32, #tpu.memory_space<hbm>>) target(%arg9 : memref<512xf32, #tpu.memory_space<vmem>>) target_semaphore(%run_scoped3A : memref<!tpu.dma_semaphore, #tpu.memory_space<semaphore_mem>>)
      %dma_wait3A_122 = tpu.memref_slice %arg5[%mul3A_7] : memref<16384xf32, #tpu.memory_space<hbm>> -> memref<512xf32, #tpu.memory_space<hbm>>
      %dma_wait3A_123 = tpu.memref_slice %arg5[%mul3A_7] : memref<16384xf32, #tpu.memory_space<hbm>> -> memref<512xf32, #tpu.memory_space<hbm>>
      tpu.wait_dma2 semaphore(%run_scoped3A : memref<!tpu.dma_semaphore, #tpu.memory_space<semaphore_mem>>) src(%dma_wait3A_123 : memref<512xf32, #tpu.memory_space<hbm>>) dst(%arg9 : memref<512xf32, #tpu.memory_space<vmem>>)
      tpu.yield
    }) : () -> ()
    %broadcast_in_dim3A = arith.constant 399 : i32
    %broadcast_in_dim3A_8 = vector.broadcast %broadcast_in_dim3A : i32 to vector<16xi32>
    %gather3A = tpu.vector_load_idx %arg7[%broadcast_in_dim3A_8] : memref<400xf32, #tpu.memory_space<vmem>>[vector<16xi32>], vector<16xf32>,
    %mul3A_9 = arith.constant 20000 : i32
    %mul3A_10 = arith.muli %shift_right_logical3A_1, %mul3A_9 : i32
    %scan3A = arith.constant 0 : i32
    %scan3A_11 = arith.constant 0 : i32
    %scan3A_12 = arith.constant 32 : i32
    %scan3A_13 = arith.addi %scan3A_11, %scan3A_12 : i32
    %scan3A_14 = arith.constant 1 : i32
    %scan3A_15 = scf.for %scan3A_120 = %scan3A_11 to %scan3A_13 step %scan3A_14 iter_args(%scan3A_121 = %scan3A) -> (i32)  : i32 {
      %mul3A_122 = arith.constant 16 : i32
      %mul3A_123 = arith.muli %scan3A_120, %mul3A_122 : i32
      %multiple_of3A = tpu.assume_multiple %mul3A_123, 16 : i32
      %get3A = arith.index_cast %multiple_of3A : i32 to index
      %get3A_124 = tpu.vector_load %arg9[%get3A] {strides = array<i32>} : memref<512xf32, #tpu.memory_space<vmem>>, vector<16xf32>,
      %mul3A_125 = arith.mulf %get3A_124, %gather3A : vector<16xf32>
      %broadcast_in_dim3A_126 = arith.constant 0 : i32
      %broadcast_in_dim3A_127 = vector.broadcast %broadcast_in_dim3A_126 : i32 to vector<16xi32>
      %add3A_128 = arith.constant 255 : i32
      %add3A_129 = vector.broadcast %add3A_128 : i32 to vector<16xi32>
      %add3A_130 = arith.addi %broadcast_in_dim3A_127, %add3A_129 : vector<16xi32>
      %min3A = arith.constant 399 : i32
      %min3A_131 = vector.broadcast %min3A : i32 to vector<16xi32>
      %min3A_132 = arith.minsi %add3A_130, %min3A_131 : vector<16xi32>
      %gather3A_133 = tpu.vector_load_idx %arg7[%min3A_132] : memref<400xf32, #tpu.memory_space<vmem>>[vector<16xi32>], vector<16xf32>,
      %lt3A = arith.constant 400 : i32
      %lt3A_134 = vector.broadcast %lt3A : i32 to vector<16xi32>
      %lt3A_135 = arith.cmpi slt, %add3A_130, %lt3A_134 : vector<16xi32>
      %lt3A_136 = arith.cmpf olt, %gather3A_133, %mul3A_125 : vector<16xf32>
      %and3A = arith.andi %lt3A_135, %lt3A_136 : vector<16xi1>
      %jit3A = arith.constant 256 : i32
      %jit3A_137 = arith.constant 0 : i32
      %broadcast_in_dim3A_138 = vector.broadcast %jit3A : i32 to vector<16xi32>
      %broadcast_in_dim3A_139 = vector.broadcast %jit3A_137 : i32 to vector<16xi32>
      %select_n3A = arith.select %and3A, %broadcast_in_dim3A_138, %broadcast_in_dim3A_139 : vector<16xi1>, vector<16xi32>
      %add3A_140 = arith.addi %broadcast_in_dim3A_127, %select_n3A : vector<16xi32>
      %add3A_141 = arith.constant 127 : i32
      %add3A_142 = vector.broadcast %add3A_141 : i32 to vector<16xi32>
      %add3A_143 = arith.addi %add3A_140, %add3A_142 : vector<16xi32>
      %min3A_144 = arith.constant 399 : i32
      %min3A_145 = vector.broadcast %min3A_144 : i32 to vector<16xi32>
      %min3A_146 = arith.minsi %add3A_143, %min3A_145 : vector<16xi32>
      %gather3A_147 = tpu.vector_load_idx %arg7[%min3A_146] : memref<400xf32, #tpu.memory_space<vmem>>[vector<16xi32>], vector<16xf32>,
      %lt3A_148 = arith.constant 400 : i32
      %lt3A_149 = vector.broadcast %lt3A_148 : i32 to vector<16xi32>
      %lt3A_150 = arith.cmpi slt, %add3A_143, %lt3A_149 : vector<16xi32>
      %lt3A_151 = arith.cmpf olt, %gather3A_147, %mul3A_125 : vector<16xf32>
      %and3A_152 = arith.andi %lt3A_150, %lt3A_151 : vector<16xi1>
      %jit3A_153 = arith.constant 128 : i32
      %jit3A_154 = arith.constant 0 : i32
      %broadcast_in_dim3A_155 = vector.broadcast %jit3A_153 : i32 to vector<16xi32>
      %broadcast_in_dim3A_156 = vector.broadcast %jit3A_154 : i32 to vector<16xi32>
      %select_n3A_157 = arith.select %and3A_152, %broadcast_in_dim3A_155, %broadcast_in_dim3A_156 : vector<16xi1>, vector<16xi32>
      %add3A_158 = arith.addi %add3A_140, %select_n3A_157 : vector<16xi32>
      %add3A_159 = arith.constant 63 : i32
      %add3A_160 = vector.broadcast %add3A_159 : i32 to vector<16xi32>
      %add3A_161 = arith.addi %add3A_158, %add3A_160 : vector<16xi32>
      %min3A_162 = arith.constant 399 : i32
      %min3A_163 = vector.broadcast %min3A_162 : i32 to vector<16xi32>
      %min3A_164 = arith.minsi %add3A_161, %min3A_163 : vector<16xi32>
      %gather3A_165 = tpu.vector_load_idx %arg7[%min3A_164] : memref<400xf32, #tpu.memory_space<vmem>>[vector<16xi32>], vector<16xf32>,
      %lt3A_166 = arith.constant 400 : i32
      %lt3A_167 = vector.broadcast %lt3A_166 : i32 to vector<16xi32>
      %lt3A_168 = arith.cmpi slt, %add3A_161, %lt3A_167 : vector<16xi32>
      %lt3A_169 = arith.cmpf olt, %gather3A_165, %mul3A_125 : vector<16xf32>
      %and3A_170 = arith.andi %lt3A_168, %lt3A_169 : vector<16xi1>
      %jit3A_171 = arith.constant 64 : i32
      %jit3A_172 = arith.constant 0 : i32
      %broadcast_in_dim3A_173 = vector.broadcast %jit3A_171 : i32 to vector<16xi32>
      %broadcast_in_dim3A_174 = vector.broadcast %jit3A_172 : i32 to vector<16xi32>
      %select_n3A_175 = arith.select %and3A_170, %broadcast_in_dim3A_173, %broadcast_in_dim3A_174 : vector<16xi1>, vector<16xi32>
      %add3A_176 = arith.addi %add3A_158, %select_n3A_175 : vector<16xi32>
      %add3A_177 = arith.constant 31 : i32
      %add3A_178 = vector.broadcast %add3A_177 : i32 to vector<16xi32>
      %add3A_179 = arith.addi %add3A_176, %add3A_178 : vector<16xi32>
      %min3A_180 = arith.constant 399 : i32
      %min3A_181 = vector.broadcast %min3A_180 : i32 to vector<16xi32>
      %min3A_182 = arith.minsi %add3A_179, %min3A_181 : vector<16xi32>
      %gather3A_183 = tpu.vector_load_idx %arg7[%min3A_182] : memref<400xf32, #tpu.memory_space<vmem>>[vector<16xi32>], vector<16xf32>,
      %lt3A_184 = arith.constant 400 : i32
      %lt3A_185 = vector.broadcast %lt3A_184 : i32 to vector<16xi32>
      %lt3A_186 = arith.cmpi slt, %add3A_179, %lt3A_185 : vector<16xi32>
      %lt3A_187 = arith.cmpf olt, %gather3A_183, %mul3A_125 : vector<16xf32>
      %and3A_188 = arith.andi %lt3A_186, %lt3A_187 : vector<16xi1>
      %jit3A_189 = arith.constant 32 : i32
      %jit3A_190 = arith.constant 0 : i32
      %broadcast_in_dim3A_191 = vector.broadcast %jit3A_189 : i32 to vector<16xi32>
      %broadcast_in_dim3A_192 = vector.broadcast %jit3A_190 : i32 to vector<16xi32>
      %select_n3A_193 = arith.select %and3A_188, %broadcast_in_dim3A_191, %broadcast_in_dim3A_192 : vector<16xi1>, vector<16xi32>
      %add3A_194 = arith.addi %add3A_176, %select_n3A_193 : vector<16xi32>
      %add3A_195 = arith.constant 15 : i32
      %add3A_196 = vector.broadcast %add3A_195 : i32 to vector<16xi32>
      %add3A_197 = arith.addi %add3A_194, %add3A_196 : vector<16xi32>
      %min3A_198 = arith.constant 399 : i32
      %min3A_199 = vector.broadcast %min3A_198 : i32 to vector<16xi32>
      %min3A_200 = arith.minsi %add3A_197, %min3A_199 : vector<16xi32>
      %gather3A_201 = tpu.vector_load_idx %arg7[%min3A_200] : memref<400xf32, #tpu.memory_space<vmem>>[vector<16xi32>], vector<16xf32>,
      %lt3A_202 = arith.constant 400 : i32
      %lt3A_203 = vector.broadcast %lt3A_202 : i32 to vector<16xi32>
      %lt3A_204 = arith.cmpi slt, %add3A_197, %lt3A_203 : vector<16xi32>
      %lt3A_205 = arith.cmpf olt, %gather3A_201, %mul3A_125 : vector<16xf32>
      %and3A_206 = arith.andi %lt3A_204, %lt3A_205 : vector<16xi1>
      %jit3A_207 = arith.constant 16 : i32
      %jit3A_208 = arith.constant 0 : i32
      %broadcast_in_dim3A_209 = vector.broadcast %jit3A_207 : i32 to vector<16xi32>
      %broadcast_in_dim3A_210 = vector.broadcast %jit3A_208 : i32 to vector<16xi32>
      %select_n3A_211 = arith.select %and3A_206, %broadcast_in_dim3A_209, %broadcast_in_dim3A_210 : vector<16xi1>, vector<16xi32>
      %add3A_212 = arith.addi %add3A_194, %select_n3A_211 : vector<16xi32>
      %add3A_213 = arith.constant 7 : i32
      %add3A_214 = vector.broadcast %add3A_213 : i32 to vector<16xi32>
      %add3A_215 = arith.addi %add3A_212, %add3A_214 : vector<16xi32>
      %min3A_216 = arith.constant 399 : i32
      %min3A_217 = vector.broadcast %min3A_216 : i32 to vector<16xi32>
      %min3A_218 = arith.minsi %add3A_215, %min3A_217 : vector<16xi32>
      %gather3A_219 = tpu.vector_load_idx %arg7[%min3A_218] : memref<400xf32, #tpu.memory_space<vmem>>[vector<16xi32>], vector<16xf32>,
      %lt3A_220 = arith.constant 400 : i32
      %lt3A_221 = vector.broadcast %lt3A_220 : i32 to vector<16xi32>
      %lt3A_222 = arith.cmpi slt, %add3A_215, %lt3A_221 : vector<16xi32>
      %lt3A_223 = arith.cmpf olt, %gather3A_219, %mul3A_125 : vector<16xf32>
      %and3A_224 = arith.andi %lt3A_222, %lt3A_223 : vector<16xi1>
      %jit3A_225 = arith.constant 8 : i32
      %jit3A_226 = arith.constant 0 : i32
      %broadcast_in_dim3A_227 = vector.broadcast %jit3A_225 : i32 to vector<16xi32>
      %broadcast_in_dim3A_228 = vector.broadcast %jit3A_226 : i32 to vector<16xi32>
      %select_n3A_229 = arith.select %and3A_224, %broadcast_in_dim3A_227, %broadcast_in_dim3A_228 : vector<16xi1>, vector<16xi32>
      %add3A_230 = arith.addi %add3A_212, %select_n3A_229 : vector<16xi32>
      %add3A_231 = arith.constant 3 : i32
      %add3A_232 = vector.broadcast %add3A_231 : i32 to vector<16xi32>
      %add3A_233 = arith.addi %add3A_230, %add3A_232 : vector<16xi32>
      %min3A_234 = arith.constant 399 : i32
      %min3A_235 = vector.broadcast %min3A_234 : i32 to vector<16xi32>
      %min3A_236 = arith.minsi %add3A_233, %min3A_235 : vector<16xi32>
      %gather3A_237 = tpu.vector_load_idx %arg7[%min3A_236] : memref<400xf32, #tpu.memory_space<vmem>>[vector<16xi32>], vector<16xf32>,
      %lt3A_238 = arith.constant 400 : i32
      %lt3A_239 = vector.broadcast %lt3A_238 : i32 to vector<16xi32>
      %lt3A_240 = arith.cmpi slt, %add3A_233, %lt3A_239 : vector<16xi32>
      %lt3A_241 = arith.cmpf olt, %gather3A_237, %mul3A_125 : vector<16xf32>
      %and3A_242 = arith.andi %lt3A_240, %lt3A_241 : vector<16xi1>
      %jit3A_243 = arith.constant 4 : i32
      %jit3A_244 = arith.constant 0 : i32
      %broadcast_in_dim3A_245 = vector.broadcast %jit3A_243 : i32 to vector<16xi32>
      %broadcast_in_dim3A_246 = vector.broadcast %jit3A_244 : i32 to vector<16xi32>
      %select_n3A_247 = arith.select %and3A_242, %broadcast_in_dim3A_245, %broadcast_in_dim3A_246 : vector<16xi1>, vector<16xi32>
      %add3A_248 = arith.addi %add3A_230, %select_n3A_247 : vector<16xi32>
      %add3A_249 = arith.constant 1 : i32
      %add3A_250 = vector.broadcast %add3A_249 : i32 to vector<16xi32>
      %add3A_251 = arith.addi %add3A_248, %add3A_250 : vector<16xi32>
      %min3A_252 = arith.constant 399 : i32
      %min3A_253 = vector.broadcast %min3A_252 : i32 to vector<16xi32>
      %min3A_254 = arith.minsi %add3A_251, %min3A_253 : vector<16xi32>
      %gather3A_255 = tpu.vector_load_idx %arg7[%min3A_254] : memref<400xf32, #tpu.memory_space<vmem>>[vector<16xi32>], vector<16xf32>,
      %lt3A_256 = arith.constant 400 : i32
      %lt3A_257 = vector.broadcast %lt3A_256 : i32 to vector<16xi32>
      %lt3A_258 = arith.cmpi slt, %add3A_251, %lt3A_257 : vector<16xi32>
      %lt3A_259 = arith.cmpf olt, %gather3A_255, %mul3A_125 : vector<16xf32>
      %and3A_260 = arith.andi %lt3A_258, %lt3A_259 : vector<16xi1>
      %jit3A_261 = arith.constant 2 : i32
      %jit3A_262 = arith.constant 0 : i32
      %broadcast_in_dim3A_263 = vector.broadcast %jit3A_261 : i32 to vector<16xi32>
      %broadcast_in_dim3A_264 = vector.broadcast %jit3A_262 : i32 to vector<16xi32>
      %select_n3A_265 = arith.select %and3A_260, %broadcast_in_dim3A_263, %broadcast_in_dim3A_264 : vector<16xi1>, vector<16xi32>
      %add3A_266 = arith.addi %add3A_248, %select_n3A_265 : vector<16xi32>
      %add3A_267 = arith.constant 0 : i32
      %add3A_268 = vector.broadcast %add3A_267 : i32 to vector<16xi32>
      %add3A_269 = arith.addi %add3A_266, %add3A_268 : vector<16xi32>
      %min3A_270 = arith.constant 399 : i32
      %min3A_271 = vector.broadcast %min3A_270 : i32 to vector<16xi32>
      %min3A_272 = arith.minsi %add3A_269, %min3A_271 : vector<16xi32>
      %gather3A_273 = tpu.vector_load_idx %arg7[%min3A_272] : memref<400xf32, #tpu.memory_space<vmem>>[vector<16xi32>], vector<16xf32>,
      %lt3A_274 = arith.constant 400 : i32
      %lt3A_275 = vector.broadcast %lt3A_274 : i32 to vector<16xi32>
      %lt3A_276 = arith.cmpi slt, %add3A_269, %lt3A_275 : vector<16xi32>
      %lt3A_277 = arith.cmpf olt, %gather3A_273, %mul3A_125 : vector<16xf32>
      %and3A_278 = arith.andi %lt3A_276, %lt3A_277 : vector<16xi1>
      %jit3A_279 = arith.constant 1 : i32
      %jit3A_280 = arith.constant 0 : i32
      %broadcast_in_dim3A_281 = vector.broadcast %jit3A_279 : i32 to vector<16xi32>
      %broadcast_in_dim3A_282 = vector.broadcast %jit3A_280 : i32 to vector<16xi32>
      %select_n3A_283 = arith.select %and3A_278, %broadcast_in_dim3A_281, %broadcast_in_dim3A_282 : vector<16xi1>, vector<16xi32>
      %add3A_284 = arith.addi %add3A_266, %select_n3A_283 : vector<16xi32>
      %min3A_285 = arith.constant 399 : i32
      %min3A_286 = vector.broadcast %min3A_285 : i32 to vector<16xi32>
      %min3A_287 = arith.minsi %add3A_284, %min3A_286 : vector<16xi32>
      %mul3A_288 = arith.constant 26 : i32
      %mul3A_289 = vector.broadcast %mul3A_288 : i32 to vector<16xi32>
      %mul3A_290 = arith.muli %min3A_287, %mul3A_289 : vector<16xi32>
      %broadcast_in_dim3A_291 = arith.constant 0 : i32
      %broadcast_in_dim3A_292 = vector.broadcast %broadcast_in_dim3A_291 : i32 to vector<16xi32>
      %add3A_293 = arith.constant 15 : i32
      %add3A_294 = vector.broadcast %add3A_293 : i32 to vector<16xi32>
      %add3A_295 = arith.addi %broadcast_in_dim3A_292, %add3A_294 : vector<16xi32>
      %min3A_296 = arith.constant 24 : i32
      %min3A_297 = vector.broadcast %min3A_296 : i32 to vector<16xi32>
      %min3A_298 = arith.minsi %add3A_295, %min3A_297 : vector<16xi32>
      %add3A_299 = arith.constant 1 : i32
      %add3A_300 = vector.broadcast %add3A_299 : i32 to vector<16xi32>
      %add3A_301 = arith.addi %mul3A_290, %add3A_300 : vector<16xi32>
      %add3A_302 = arith.addi %add3A_301, %min3A_298 : vector<16xi32>
      %gather3A_303 = tpu.vector_load_idx %arg8[%add3A_302] : memref<10400xf32, #tpu.memory_space<vmem>>[vector<16xi32>], vector<16xf32>,
      %lt3A_304 = arith.constant 25 : i32
      %lt3A_305 = vector.broadcast %lt3A_304 : i32 to vector<16xi32>
      %lt3A_306 = arith.cmpi slt, %add3A_295, %lt3A_305 : vector<16xi32>
      %lt3A_307 = arith.cmpf olt, %gather3A_303, %mul3A_125 : vector<16xf32>
      %and3A_308 = arith.andi %lt3A_306, %lt3A_307 : vector<16xi1>
      %jit3A_309 = arith.constant 16 : i32
      %jit3A_310 = arith.constant 0 : i32
      %broadcast_in_dim3A_311 = vector.broadcast %jit3A_309 : i32 to vector<16xi32>
      %broadcast_in_dim3A_312 = vector.broadcast %jit3A_310 : i32 to vector<16xi32>
      %select_n3A_313 = arith.select %and3A_308, %broadcast_in_dim3A_311, %broadcast_in_dim3A_312 : vector<16xi1>, vector<16xi32>
      %add3A_314 = arith.addi %broadcast_in_dim3A_292, %select_n3A_313 : vector<16xi32>
      %add3A_315 = arith.constant 7 : i32
      %add3A_316 = vector.broadcast %add3A_315 : i32 to vector<16xi32>
      %add3A_317 = arith.addi %add3A_314, %add3A_316 : vector<16xi32>
      %min3A_318 = arith.constant 24 : i32
      %min3A_319 = vector.broadcast %min3A_318 : i32 to vector<16xi32>
      %min3A_320 = arith.minsi %add3A_317, %min3A_319 : vector<16xi32>
      %add3A_321 = arith.constant 1 : i32
      %add3A_322 = vector.broadcast %add3A_321 : i32 to vector<16xi32>
      %add3A_323 = arith.addi %mul3A_290, %add3A_322 : vector<16xi32>
      %add3A_324 = arith.addi %add3A_323, %min3A_320 : vector<16xi32>
      %gather3A_325 = tpu.vector_load_idx %arg8[%add3A_324] : memref<10400xf32, #tpu.memory_space<vmem>>[vector<16xi32>], vector<16xf32>,
      %lt3A_326 = arith.constant 25 : i32
      %lt3A_327 = vector.broadcast %lt3A_326 : i32 to vector<16xi32>
      %lt3A_328 = arith.cmpi slt, %add3A_317, %lt3A_327 : vector<16xi32>
      %lt3A_329 = arith.cmpf olt, %gather3A_325, %mul3A_125 : vector<16xf32>
      %and3A_330 = arith.andi %lt3A_328, %lt3A_329 : vector<16xi1>
      %jit3A_331 = arith.constant 8 : i32
      %jit3A_332 = arith.constant 0 : i32
      %broadcast_in_dim3A_333 = vector.broadcast %jit3A_331 : i32 to vector<16xi32>
      %broadcast_in_dim3A_334 = vector.broadcast %jit3A_332 : i32 to vector<16xi32>
      %select_n3A_335 = arith.select %and3A_330, %broadcast_in_dim3A_333, %broadcast_in_dim3A_334 : vector<16xi1>, vector<16xi32>
      %add3A_336 = arith.addi %add3A_314, %select_n3A_335 : vector<16xi32>
      %add3A_337 = arith.constant 3 : i32
      %add3A_338 = vector.broadcast %add3A_337 : i32 to vector<16xi32>
      %add3A_339 = arith.addi %add3A_336, %add3A_338 : vector<16xi32>
      %min3A_340 = arith.constant 24 : i32
      %min3A_341 = vector.broadcast %min3A_340 : i32 to vector<16xi32>
      %min3A_342 = arith.minsi %add3A_339, %min3A_341 : vector<16xi32>
      %add3A_343 = arith.constant 1 : i32
      %add3A_344 = vector.broadcast %add3A_343 : i32 to vector<16xi32>
      %add3A_345 = arith.addi %mul3A_290, %add3A_344 : vector<16xi32>
      %add3A_346 = arith.addi %add3A_345, %min3A_342 : vector<16xi32>
      %gather3A_347 = tpu.vector_load_idx %arg8[%add3A_346] : memref<10400xf32, #tpu.memory_space<vmem>>[vector<16xi32>], vector<16xf32>,
      %lt3A_348 = arith.constant 25 : i32
      %lt3A_349 = vector.broadcast %lt3A_348 : i32 to vector<16xi32>
      %lt3A_350 = arith.cmpi slt, %add3A_339, %lt3A_349 : vector<16xi32>
      %lt3A_351 = arith.cmpf olt, %gather3A_347, %mul3A_125 : vector<16xf32>
      %and3A_352 = arith.andi %lt3A_350, %lt3A_351 : vector<16xi1>
      %jit3A_353 = arith.constant 4 : i32
      %jit3A_354 = arith.constant 0 : i32
      %broadcast_in_dim3A_355 = vector.broadcast %jit3A_353 : i32 to vector<16xi32>
      %broadcast_in_dim3A_356 = vector.broadcast %jit3A_354 : i32 to vector<16xi32>
      %select_n3A_357 = arith.select %and3A_352, %broadcast_in_dim3A_355, %broadcast_in_dim3A_356 : vector<16xi1>, vector<16xi32>
      %add3A_358 = arith.addi %add3A_336, %select_n3A_357 : vector<16xi32>
      %add3A_359 = arith.constant 1 : i32
      %add3A_360 = vector.broadcast %add3A_359 : i32 to vector<16xi32>
      %add3A_361 = arith.addi %add3A_358, %add3A_360 : vector<16xi32>
      %min3A_362 = arith.constant 24 : i32
      %min3A_363 = vector.broadcast %min3A_362 : i32 to vector<16xi32>
      %min3A_364 = arith.minsi %add3A_361, %min3A_363 : vector<16xi32>
      %add3A_365 = arith.constant 1 : i32
      %add3A_366 = vector.broadcast %add3A_365 : i32 to vector<16xi32>
      %add3A_367 = arith.addi %mul3A_290, %add3A_366 : vector<16xi32>
      %add3A_368 = arith.addi %add3A_367, %min3A_364 : vector<16xi32>
      %gather3A_369 = tpu.vector_load_idx %arg8[%add3A_368] : memref<10400xf32, #tpu.memory_space<vmem>>[vector<16xi32>], vector<16xf32>,
      %lt3A_370 = arith.constant 25 : i32
      %lt3A_371 = vector.broadcast %lt3A_370 : i32 to vector<16xi32>
      %lt3A_372 = arith.cmpi slt, %add3A_361, %lt3A_371 : vector<16xi32>
      %lt3A_373 = arith.cmpf olt, %gather3A_369, %mul3A_125 : vector<16xf32>
      %and3A_374 = arith.andi %lt3A_372, %lt3A_373 : vector<16xi1>
      %jit3A_375 = arith.constant 2 : i32
      %jit3A_376 = arith.constant 0 : i32
      %broadcast_in_dim3A_377 = vector.broadcast %jit3A_375 : i32 to vector<16xi32>
      %broadcast_in_dim3A_378 = vector.broadcast %jit3A_376 : i32 to vector<16xi32>
      %select_n3A_379 = arith.select %and3A_374, %broadcast_in_dim3A_377, %broadcast_in_dim3A_378 : vector<16xi1>, vector<16xi32>
      %add3A_380 = arith.addi %add3A_358, %select_n3A_379 : vector<16xi32>
      %add3A_381 = arith.constant 0 : i32
      %add3A_382 = vector.broadcast %add3A_381 : i32 to vector<16xi32>
      %add3A_383 = arith.addi %add3A_380, %add3A_382 : vector<16xi32>
      %min3A_384 = arith.constant 24 : i32
      %min3A_385 = vector.broadcast %min3A_384 : i32 to vector<16xi32>
      %min3A_386 = arith.minsi %add3A_383, %min3A_385 : vector<16xi32>
      %add3A_387 = arith.constant 1 : i32
      %add3A_388 = vector.broadcast %add3A_387 : i32 to vector<16xi32>
      %add3A_389 = arith.addi %mul3A_290, %add3A_388 : vector<16xi32>
      %add3A_390 = arith.addi %add3A_389, %min3A_386 : vector<16xi32>
      %gather3A_391 = tpu.vector_load_idx %arg8[%add3A_390] : memref<10400xf32, #tpu.memory_space<vmem>>[vector<16xi32>], vector<16xf32>,
      %lt3A_392 = arith.constant 25 : i32
      %lt3A_393 = vector.broadcast %lt3A_392 : i32 to vector<16xi32>
      %lt3A_394 = arith.cmpi slt, %add3A_383, %lt3A_393 : vector<16xi32>
      %lt3A_395 = arith.cmpf olt, %gather3A_391, %mul3A_125 : vector<16xf32>
      %and3A_396 = arith.andi %lt3A_394, %lt3A_395 : vector<16xi1>
      %jit3A_397 = arith.constant 1 : i32
      %jit3A_398 = arith.constant 0 : i32
      %broadcast_in_dim3A_399 = vector.broadcast %jit3A_397 : i32 to vector<16xi32>
      %broadcast_in_dim3A_400 = vector.broadcast %jit3A_398 : i32 to vector<16xi32>
      %select_n3A_401 = arith.select %and3A_396, %broadcast_in_dim3A_399, %broadcast_in_dim3A_400 : vector<16xi1>, vector<16xi32>
      %add3A_402 = arith.addi %add3A_380, %select_n3A_401 : vector<16xi32>
      %min3A_403 = arith.constant 24 : i32
      %min3A_404 = vector.broadcast %min3A_403 : i32 to vector<16xi32>
      %min3A_405 = arith.minsi %add3A_402, %min3A_404 : vector<16xi32>
      %add3A_406 = arith.addi %mul3A_290, %min3A_405 : vector<16xi32>
      %gather3A_407 = tpu.vector_load_idx %arg8[%add3A_406] : memref<10400xf32, #tpu.memory_space<vmem>>[vector<16xi32>], vector<16xf32>,
      %swap3A = arith.index_cast %multiple_of3A : i32 to index
      %swap3A_408 = tpu.vector_load %arg12[%swap3A] {strides = array<i32>} : memref<512xi32, #tpu.memory_space<vmem>>, vector<16xi32>,
      tpu.vector_store %arg12[%swap3A], %min3A_287 {strides = array<i32>} : memref<512xi32, #tpu.memory_space<vmem>>, vector<16xi32>,
      %mul3A_409 = arith.constant 16 : i32
      %mul3A_410 = vector.broadcast %mul3A_409 : i32 to vector<16xi32>
      %mul3A_411 = arith.muli %min3A_405, %mul3A_410 : vector<16xi32>
      %swap3A_412 = arith.index_cast %multiple_of3A : i32 to index
      %swap3A_413 = tpu.vector_load %arg13[%swap3A_412] {strides = array<i32>} : memref<512xi32, #tpu.memory_space<vmem>>, vector<16xi32>,
      tpu.vector_store %arg13[%swap3A_412], %mul3A_411 {strides = array<i32>} : memref<512xi32, #tpu.memory_space<vmem>>, vector<16xi32>,
      %swap3A_414 = arith.index_cast %multiple_of3A : i32 to index
      %swap3A_415 = tpu.vector_load %arg14[%swap3A_414] {strides = array<i32>} : memref<512xf32, #tpu.memory_space<vmem>>, vector<16xf32>,
      tpu.vector_store %arg14[%swap3A_414], %gather3A_407 {strides = array<i32>} : memref<512xf32, #tpu.memory_space<vmem>>, vector<16xf32>,
      %swap3A_416 = arith.index_cast %multiple_of3A : i32 to index
      %swap3A_417 = tpu.vector_load %arg15[%swap3A_416] {strides = array<i32>} : memref<512xf32, #tpu.memory_space<vmem>>, vector<16xf32>,
      tpu.vector_store %arg15[%swap3A_416], %mul3A_125 {strides = array<i32>} : memref<512xf32, #tpu.memory_space<vmem>>, vector<16xf32>,
      %shift_right_logical3A_418 = arith.constant 3 : i32
      %shift_right_logical3A_419 = arith.shrui %scan3A_120, %shift_right_logical3A_418 : i32
      %and3A_420 = arith.constant 7 : i32
      %and3A_421 = arith.andi %scan3A_120, %and3A_420 : i32
      %mul3A_422 = arith.constant 16 : i32
      %mul3A_423 = arith.muli %and3A_421, %mul3A_422 : i32
      %multiple_of3A_424 = tpu.assume_multiple %mul3A_423, 16 : i32
      %mul3A_425 = arith.constant 50 : i32
      %mul3A_426 = vector.broadcast %mul3A_425 : i32 to vector<16xi32>
      %mul3A_427 = arith.muli %min3A_287, %mul3A_426 : vector<16xi32>
      %add3A_428 = vector.broadcast %mul3A_10 : i32 to vector<16xi32>
      %add3A_429 = arith.addi %add3A_428, %mul3A_427 : vector<16xi32>
      %add3A_430 = arith.addi %add3A_429, %min3A_405 : vector<16xi32>
      %swap3A_431 = arith.index_cast %shift_right_logical3A_419 : i32 to index
      %swap3A_432 = arith.index_cast %multiple_of3A_424 : i32 to index
      %swap3A_433 = tpu.vector_load %arg10[%swap3A_431, %swap3A_432] {strides = array<i32>} : memref<4x128xi32, #tpu.memory_space<vmem>>, vector<16xi32>,
      tpu.vector_store %arg10[%swap3A_431, %swap3A_432], %add3A_430 {strides = array<i32>} : memref<4x128xi32, #tpu.memory_space<vmem>>, vector<16xi32>,
      %scan3A_434 = arith.constant 0 : i32
      scf.yield %scan3A_434 : i32
    }
    %scan3A_16 = arith.constant 32 : i32
    %dma_start3A = arith.constant 0 : i32
    %dma_start3A_17 = arith.constant 0 : i32
    %dma_start3A_18 = arith.constant 0 : i32
    %dma_start3A_19 = arith.constant 0 : i32
    %dma_start3A_20 = tpu.memref_slice %arg11[%dma_start3A_17, %dma_start3A_18, %dma_start3A_19] : memref<4x128x32xf32, #tpu.memory_space<vmem>> -> memref<1x128x32xf32, #tpu.memory_space<vmem>>
    %dma_start3A_21 = tpu.memref_squeeze %dma_start3A_20 : memref<1x128x32xf32, #tpu.memory_space<vmem>> -> memref<128x32xf32, #tpu.memory_space<vmem>>
    %dma_start3A_22 = arith.constant 0 : i32
    %dma_start3A_23 = tpu.memref_slice %arg10[%dma_start3A, %dma_start3A_22] : memref<4x128xi32, #tpu.memory_space<vmem>> -> memref<1x128xi32, #tpu.memory_space<vmem>>
    %dma_start3A_24 = tpu.memref_squeeze %dma_start3A_23 : memref<1x128xi32, #tpu.memory_space<vmem>> -> memref<128xi32, #tpu.memory_space<vmem>>
    %dma_start3A_25 = arith.constant 0 : i32
    %dma_start3A_26 = arith.constant 0 : i32
    %dma_start3A_27 = tpu.memref_slice %arg4[%dma_start3A_25, %dma_start3A_26] : memref<320000x32xf32, #tpu.memory_space<hbm>> -> memref<320000x32xf32, #tpu.memory_space<hbm>>
    tpu.enqueue_indirect_dma source(%dma_start3A_27 : memref<320000x32xf32, #tpu.memory_space<hbm>>) target(%dma_start3A_21 : memref<128x32xf32, #tpu.memory_space<vmem>>) offsets(%dma_start3A_24 : memref<128xi32, #tpu.memory_space<vmem>>) semaphore(%arg17 : memref<!tpu.dma_semaphore, #tpu.memory_space<semaphore_mem>>)
    %dma_start3A_28 = arith.constant 1 : i32
    %dma_start3A_29 = arith.constant 1 : i32
    %dma_start3A_30 = arith.constant 0 : i32
    %dma_start3A_31 = arith.constant 0 : i32
    %dma_start3A_32 = tpu.memref_slice %arg11[%dma_start3A_29, %dma_start3A_30, %dma_start3A_31] : memref<4x128x32xf32, #tpu.memory_space<vmem>> -> memref<1x128x32xf32, #tpu.memory_space<vmem>>
    %dma_start3A_33 = tpu.memref_squeeze %dma_start3A_32 : memref<1x128x32xf32, #tpu.memory_space<vmem>> -> memref<128x32xf32, #tpu.memory_space<vmem>>
    %dma_start3A_34 = arith.constant 0 : i32
    %dma_start3A_35 = tpu.memref_slice %arg10[%dma_start3A_28, %dma_start3A_34] : memref<4x128xi32, #tpu.memory_space<vmem>> -> memref<1x128xi32, #tpu.memory_space<vmem>>
    %dma_start3A_36 = tpu.memref_squeeze %dma_start3A_35 : memref<1x128xi32, #tpu.memory_space<vmem>> -> memref<128xi32, #tpu.memory_space<vmem>>
    %dma_start3A_37 = arith.constant 0 : i32
    %dma_start3A_38 = arith.constant 0 : i32
    %dma_start3A_39 = tpu.memref_slice %arg4[%dma_start3A_37, %dma_start3A_38] : memref<320000x32xf32, #tpu.memory_space<hbm>> -> memref<320000x32xf32, #tpu.memory_space<hbm>>
    tpu.enqueue_indirect_dma source(%dma_start3A_39 : memref<320000x32xf32, #tpu.memory_space<hbm>>) target(%dma_start3A_33 : memref<128x32xf32, #tpu.memory_space<vmem>>) offsets(%dma_start3A_36 : memref<128xi32, #tpu.memory_space<vmem>>) semaphore(%arg17 : memref<!tpu.dma_semaphore, #tpu.memory_space<semaphore_mem>>)
    %dma_start3A_40 = arith.constant 2 : i32
    %dma_start3A_41 = arith.constant 2 : i32
    %dma_start3A_42 = arith.constant 0 : i32
    %dma_start3A_43 = arith.constant 0 : i32
    %dma_start3A_44 = tpu.memref_slice %arg11[%dma_start3A_41, %dma_start3A_42, %dma_start3A_43] : memref<4x128x32xf32, #tpu.memory_space<vmem>> -> memref<1x128x32xf32, #tpu.memory_space<vmem>>
    %dma_start3A_45 = tpu.memref_squeeze %dma_start3A_44 : memref<1x128x32xf32, #tpu.memory_space<vmem>> -> memref<128x32xf32, #tpu.memory_space<vmem>>
    %dma_start3A_46 = arith.constant 0 : i32
    %dma_start3A_47 = tpu.memref_slice %arg10[%dma_start3A_40, %dma_start3A_46] : memref<4x128xi32, #tpu.memory_space<vmem>> -> memref<1x128xi32, #tpu.memory_space<vmem>>
    %dma_start3A_48 = tpu.memref_squeeze %dma_start3A_47 : memref<1x128xi32, #tpu.memory_space<vmem>> -> memref<128xi32, #tpu.memory_space<vmem>>
    %dma_start3A_49 = arith.constant 0 : i32
    %dma_start3A_50 = arith.constant 0 : i32
    %dma_start3A_51 = tpu.memref_slice %arg4[%dma_start3A_49, %dma_start3A_50] : memref<320000x32xf32, #tpu.memory_space<hbm>> -> memref<320000x32xf32, #tpu.memory_space<hbm>>
    tpu.enqueue_indirect_dma source(%dma_start3A_51 : memref<320000x32xf32, #tpu.memory_space<hbm>>) target(%dma_start3A_45 : memref<128x32xf32, #tpu.memory_space<vmem>>) offsets(%dma_start3A_48 : memref<128xi32, #tpu.memory_space<vmem>>) semaphore(%arg17 : memref<!tpu.dma_semaphore, #tpu.memory_space<semaphore_mem>>)
    %dma_start3A_52 = arith.constant 3 : i32
    %dma_start3A_53 = arith.constant 3 : i32
    %dma_start3A_54 = arith.constant 0 : i32
    %dma_start3A_55 = arith.constant 0 : i32
    %dma_start3A_56 = tpu.memref_slice %arg11[%dma_start3A_53, %dma_start3A_54, %dma_start3A_55] : memref<4x128x32xf32, #tpu.memory_space<vmem>> -> memref<1x128x32xf32, #tpu.memory_space<vmem>>
    %dma_start3A_57 = tpu.memref_squeeze %dma_start3A_56 : memref<1x128x32xf32, #tpu.memory_space<vmem>> -> memref<128x32xf32, #tpu.memory_space<vmem>>
    %dma_start3A_58 = arith.constant 0 : i32
    %dma_start3A_59 = tpu.memref_slice %arg10[%dma_start3A_52, %dma_start3A_58] : memref<4x128xi32, #tpu.memory_space<vmem>> -> memref<1x128xi32, #tpu.memory_space<vmem>>
    %dma_start3A_60 = tpu.memref_squeeze %dma_start3A_59 : memref<1x128xi32, #tpu.memory_space<vmem>> -> memref<128xi32, #tpu.memory_space<vmem>>
    %dma_start3A_61 = arith.constant 0 : i32
    %dma_start3A_62 = arith.constant 0 : i32
    %dma_start3A_63 = tpu.memref_slice %arg4[%dma_start3A_61, %dma_start3A_62] : memref<320000x32xf32, #tpu.memory_space<hbm>> -> memref<320000x32xf32, #tpu.memory_space<hbm>>
    tpu.enqueue_indirect_dma source(%dma_start3A_63 : memref<320000x32xf32, #tpu.memory_space<hbm>>) target(%dma_start3A_57 : memref<128x32xf32, #tpu.memory_space<vmem>>) offsets(%dma_start3A_60 : memref<128xi32, #tpu.memory_space<vmem>>) semaphore(%arg17 : memref<!tpu.dma_semaphore, #tpu.memory_space<semaphore_mem>>)
    %dma_wait3A = arith.constant 0 : i32
    %dma_wait3A_64 = arith.constant 0 : i32
    %dma_wait3A_65 = arith.constant 0 : i32
    %dma_wait3A_66 = arith.constant 0 : i32
    %dma_wait3A_67 = tpu.memref_slice %arg11[%dma_wait3A_64, %dma_wait3A_65, %dma_wait3A_66] : memref<4x128x32xf32, #tpu.memory_space<vmem>> -> memref<1x128x32xf32, #tpu.memory_space<vmem>>
    %dma_wait3A_68 = tpu.memref_squeeze %dma_wait3A_67 : memref<1x128x32xf32, #tpu.memory_space<vmem>> -> memref<128x32xf32, #tpu.memory_space<vmem>>
    %dma_wait3A_69 = arith.constant 0 : i32
    %dma_wait3A_70 = tpu.memref_slice %arg10[%dma_wait3A, %dma_wait3A_69] : memref<4x128xi32, #tpu.memory_space<vmem>> -> memref<1x128xi32, #tpu.memory_space<vmem>>
    %dma_wait3A_71 = tpu.memref_squeeze %dma_wait3A_70 : memref<1x128xi32, #tpu.memory_space<vmem>> -> memref<128xi32, #tpu.memory_space<vmem>>
    %dma_wait3A_72 = arith.constant 0 : i32
    %dma_wait3A_73 = arith.constant 0 : i32
    %dma_wait3A_74 = tpu.memref_slice %arg4[%dma_wait3A_72, %dma_wait3A_73] : memref<320000x32xf32, #tpu.memory_space<hbm>> -> memref<320000x32xf32, #tpu.memory_space<hbm>>
    tpu.wait_indirect_dma semaphore(%arg17 : memref<!tpu.dma_semaphore, #tpu.memory_space<semaphore_mem>>) src(%dma_wait3A_74 : memref<320000x32xf32, #tpu.memory_space<hbm>>) dst(%dma_wait3A_68 : memref<128x32xf32, #tpu.memory_space<vmem>>)
    %dma_wait3A_75 = arith.constant 1 : i32
    %dma_wait3A_76 = arith.constant 1 : i32
    %dma_wait3A_77 = arith.constant 0 : i32
    %dma_wait3A_78 = arith.constant 0 : i32
    %dma_wait3A_79 = tpu.memref_slice %arg11[%dma_wait3A_76, %dma_wait3A_77, %dma_wait3A_78] : memref<4x128x32xf32, #tpu.memory_space<vmem>> -> memref<1x128x32xf32, #tpu.memory_space<vmem>>
    %dma_wait3A_80 = tpu.memref_squeeze %dma_wait3A_79 : memref<1x128x32xf32, #tpu.memory_space<vmem>> -> memref<128x32xf32, #tpu.memory_space<vmem>>
    %dma_wait3A_81 = arith.constant 0 : i32
    %dma_wait3A_82 = tpu.memref_slice %arg10[%dma_wait3A_75, %dma_wait3A_81] : memref<4x128xi32, #tpu.memory_space<vmem>> -> memref<1x128xi32, #tpu.memory_space<vmem>>
    %dma_wait3A_83 = tpu.memref_squeeze %dma_wait3A_82 : memref<1x128xi32, #tpu.memory_space<vmem>> -> memref<128xi32, #tpu.memory_space<vmem>>
    %dma_wait3A_84 = arith.constant 0 : i32
    %dma_wait3A_85 = arith.constant 0 : i32
    %dma_wait3A_86 = tpu.memref_slice %arg4[%dma_wait3A_84, %dma_wait3A_85] : memref<320000x32xf32, #tpu.memory_space<hbm>> -> memref<320000x32xf32, #tpu.memory_space<hbm>>
    tpu.wait_indirect_dma semaphore(%arg17 : memref<!tpu.dma_semaphore, #tpu.memory_space<semaphore_mem>>) src(%dma_wait3A_86 : memref<320000x32xf32, #tpu.memory_space<hbm>>) dst(%dma_wait3A_80 : memref<128x32xf32, #tpu.memory_space<vmem>>)
    %dma_wait3A_87 = arith.constant 2 : i32
    %dma_wait3A_88 = arith.constant 2 : i32
    %dma_wait3A_89 = arith.constant 0 : i32
    %dma_wait3A_90 = arith.constant 0 : i32
    %dma_wait3A_91 = tpu.memref_slice %arg11[%dma_wait3A_88, %dma_wait3A_89, %dma_wait3A_90] : memref<4x128x32xf32, #tpu.memory_space<vmem>> -> memref<1x128x32xf32, #tpu.memory_space<vmem>>
    %dma_wait3A_92 = tpu.memref_squeeze %dma_wait3A_91 : memref<1x128x32xf32, #tpu.memory_space<vmem>> -> memref<128x32xf32, #tpu.memory_space<vmem>>
    %dma_wait3A_93 = arith.constant 0 : i32
    %dma_wait3A_94 = tpu.memref_slice %arg10[%dma_wait3A_87, %dma_wait3A_93] : memref<4x128xi32, #tpu.memory_space<vmem>> -> memref<1x128xi32, #tpu.memory_space<vmem>>
    %dma_wait3A_95 = tpu.memref_squeeze %dma_wait3A_94 : memref<1x128xi32, #tpu.memory_space<vmem>> -> memref<128xi32, #tpu.memory_space<vmem>>
    %dma_wait3A_96 = arith.constant 0 : i32
    %dma_wait3A_97 = arith.constant 0 : i32
    %dma_wait3A_98 = tpu.memref_slice %arg4[%dma_wait3A_96, %dma_wait3A_97] : memref<320000x32xf32, #tpu.memory_space<hbm>> -> memref<320000x32xf32, #tpu.memory_space<hbm>>
    tpu.wait_indirect_dma semaphore(%arg17 : memref<!tpu.dma_semaphore, #tpu.memory_space<semaphore_mem>>) src(%dma_wait3A_98 : memref<320000x32xf32, #tpu.memory_space<hbm>>) dst(%dma_wait3A_92 : memref<128x32xf32, #tpu.memory_space<vmem>>)
    %dma_wait3A_99 = arith.constant 3 : i32
    %dma_wait3A_100 = arith.constant 3 : i32
    %dma_wait3A_101 = arith.constant 0 : i32
    %dma_wait3A_102 = arith.constant 0 : i32
    %dma_wait3A_103 = tpu.memref_slice %arg11[%dma_wait3A_100, %dma_wait3A_101, %dma_wait3A_102] : memref<4x128x32xf32, #tpu.memory_space<vmem>> -> memref<1x128x32xf32, #tpu.memory_space<vmem>>
    %dma_wait3A_104 = tpu.memref_squeeze %dma_wait3A_103 : memref<1x128x32xf32, #tpu.memory_space<vmem>> -> memref<128x32xf32, #tpu.memory_space<vmem>>
    %dma_wait3A_105 = arith.constant 0 : i32
    %dma_wait3A_106 = tpu.memref_slice %arg10[%dma_wait3A_99, %dma_wait3A_105] : memref<4x128xi32, #tpu.memory_space<vmem>> -> memref<1x128xi32, #tpu.memory_space<vmem>>
    %dma_wait3A_107 = tpu.memref_squeeze %dma_wait3A_106 : memref<1x128xi32, #tpu.memory_space<vmem>> -> memref<128xi32, #tpu.memory_space<vmem>>
    %dma_wait3A_108 = arith.constant 0 : i32
    %dma_wait3A_109 = arith.constant 0 : i32
    %dma_wait3A_110 = tpu.memref_slice %arg4[%dma_wait3A_108, %dma_wait3A_109] : memref<320000x32xf32, #tpu.memory_space<hbm>> -> memref<320000x32xf32, #tpu.memory_space<hbm>>
    tpu.wait_indirect_dma semaphore(%arg17 : memref<!tpu.dma_semaphore, #tpu.memory_space<semaphore_mem>>) src(%dma_wait3A_110 : memref<320000x32xf32, #tpu.memory_space<hbm>>) dst(%dma_wait3A_104 : memref<128x32xf32, #tpu.memory_space<vmem>>)
    %iota3A = tpu.iota {dimensions = array<i32: 0>} : vector<16xi32>
    %scan3A_111 = arith.constant 0 : i32
    %scan3A_112 = arith.constant 0 : i32
    %scan3A_113 = arith.constant 32 : i32
    %scan3A_114 = arith.addi %scan3A_112, %scan3A_113 : i32
    %scan3A_115 = arith.constant 1 : i32
    %scan3A_116 = scf.for %scan3A_120 = %scan3A_112 to %scan3A_114 step %scan3A_115 iter_args(%scan3A_121 = %scan3A_111) -> (i32)  : i32 {
      %mul3A_122 = arith.constant 16 : i32
      %mul3A_123 = arith.muli %scan3A_120, %mul3A_122 : i32
      %multiple_of3A = tpu.assume_multiple %mul3A_123, 16 : i32
      %get3A = arith.index_cast %multiple_of3A : i32 to index
      %get3A_124 = tpu.vector_load %arg12[%get3A] {strides = array<i32>} : memref<512xi32, #tpu.memory_space<vmem>>, vector<16xi32>,
      %get3A_125 = arith.index_cast %multiple_of3A : i32 to index
      %get3A_126 = tpu.vector_load %arg13[%get3A_125] {strides = array<i32>} : memref<512xi32, #tpu.memory_space<vmem>>, vector<16xi32>,
      %get3A_127 = arith.index_cast %multiple_of3A : i32 to index
      %get3A_128 = tpu.vector_load %arg14[%get3A_127] {strides = array<i32>} : memref<512xf32, #tpu.memory_space<vmem>>, vector<16xf32>,
      %get3A_129 = arith.index_cast %multiple_of3A : i32 to index
      %get3A_130 = tpu.vector_load %arg15[%get3A_129] {strides = array<i32>} : memref<512xf32, #tpu.memory_space<vmem>>, vector<16xf32>,
      %and3A = arith.constant 7 : i32
      %and3A_131 = arith.andi %scan3A_120, %and3A : i32
      %mul3A_132 = arith.constant 16 : i32
      %mul3A_133 = arith.muli %and3A_131, %mul3A_132 : i32
      %add3A_134 = vector.broadcast %mul3A_133 : i32 to vector<16xi32>
      %add3A_135 = arith.addi %iota3A, %add3A_134 : vector<16xi32>
      %broadcast_in_dim3A_136 = arith.constant 0 : i32
      %broadcast_in_dim3A_137 = vector.broadcast %broadcast_in_dim3A_136 : i32 to vector<16xi32>
      %shift_right_logical3A_138 = arith.constant 3 : i32
      %shift_right_logical3A_139 = arith.shrui %scan3A_120, %shift_right_logical3A_138 : i32
      %add3A_140 = vector.broadcast %shift_right_logical3A_139 : i32 to vector<16xi32>
      %add3A_141 = arith.addi %broadcast_in_dim3A_137, %add3A_140 : vector<16xi32>
      %broadcast_in_dim3A_142 = arith.constant 0.000000e+00 : f32
      %broadcast_in_dim3A_143 = vector.broadcast %broadcast_in_dim3A_142 : f32 to vector<16xf32>
      %broadcast_in_dim3A_144 = arith.constant 0 : i32
      %broadcast_in_dim3A_145 = vector.broadcast %broadcast_in_dim3A_144 : i32 to vector<16xi32>
      %broadcast_in_dim3A_146 = arith.constant 0 : i32
      %broadcast_in_dim3A_147 = vector.broadcast %broadcast_in_dim3A_146 : i32 to vector<16xi32>
      %gather3A_148 = tpu.vector_load_idx %arg11[%add3A_141, %add3A_135, %broadcast_in_dim3A_147] : memref<4x128x32xf32, #tpu.memory_space<vmem>>[vector<16xi32>, vector<16xi32>, vector<16xi32>], vector<16xf32>,
      %add3A_149 = arith.addf %broadcast_in_dim3A_143, %gather3A_148 : vector<16xf32>
      %add3A_150 = arith.addf %get3A_128, %add3A_149 : vector<16xf32>
      %lt3A = arith.cmpf olt, %add3A_150, %get3A_130 : vector<16xf32>
      %jit3A = arith.constant 1 : i32
      %jit3A_151 = arith.constant 0 : i32
      %broadcast_in_dim3A_152 = vector.broadcast %jit3A : i32 to vector<16xi32>
      %broadcast_in_dim3A_153 = vector.broadcast %jit3A_151 : i32 to vector<16xi32>
      %select_n3A = arith.select %lt3A, %broadcast_in_dim3A_152, %broadcast_in_dim3A_153 : vector<16xi1>, vector<16xi32>
      %add3A_154 = arith.addi %broadcast_in_dim3A_145, %select_n3A : vector<16xi32>
      %broadcast_in_dim3A_155 = arith.constant 2 : i32
      %broadcast_in_dim3A_156 = vector.broadcast %broadcast_in_dim3A_155 : i32 to vector<16xi32>
      %gather3A_157 = tpu.vector_load_idx %arg11[%add3A_141, %add3A_135, %broadcast_in_dim3A_156] : memref<4x128x32xf32, #tpu.memory_space<vmem>>[vector<16xi32>, vector<16xi32>, vector<16xi32>], vector<16xf32>,
      %add3A_158 = arith.addf %add3A_149, %gather3A_157 : vector<16xf32>
      %add3A_159 = arith.addf %get3A_128, %add3A_158 : vector<16xf32>
      %lt3A_160 = arith.cmpf olt, %add3A_159, %get3A_130 : vector<16xf32>
      %jit3A_161 = arith.constant 1 : i32
      %jit3A_162 = arith.constant 0 : i32
      %broadcast_in_dim3A_163 = vector.broadcast %jit3A_161 : i32 to vector<16xi32>
      %broadcast_in_dim3A_164 = vector.broadcast %jit3A_162 : i32 to vector<16xi32>
      %select_n3A_165 = arith.select %lt3A_160, %broadcast_in_dim3A_163, %broadcast_in_dim3A_164 : vector<16xi1>, vector<16xi32>
      %add3A_166 = arith.addi %add3A_154, %select_n3A_165 : vector<16xi32>
      %broadcast_in_dim3A_167 = arith.constant 4 : i32
      %broadcast_in_dim3A_168 = vector.broadcast %broadcast_in_dim3A_167 : i32 to vector<16xi32>
      %gather3A_169 = tpu.vector_load_idx %arg11[%add3A_141, %add3A_135, %broadcast_in_dim3A_168] : memref<4x128x32xf32, #tpu.memory_space<vmem>>[vector<16xi32>, vector<16xi32>, vector<16xi32>], vector<16xf32>,
      %add3A_170 = arith.addf %add3A_158, %gather3A_169 : vector<16xf32>
      %add3A_171 = arith.addf %get3A_128, %add3A_170 : vector<16xf32>
      %lt3A_172 = arith.cmpf olt, %add3A_171, %get3A_130 : vector<16xf32>
      %jit3A_173 = arith.constant 1 : i32
      %jit3A_174 = arith.constant 0 : i32
      %broadcast_in_dim3A_175 = vector.broadcast %jit3A_173 : i32 to vector<16xi32>
      %broadcast_in_dim3A_176 = vector.broadcast %jit3A_174 : i32 to vector<16xi32>
      %select_n3A_177 = arith.select %lt3A_172, %broadcast_in_dim3A_175, %broadcast_in_dim3A_176 : vector<16xi1>, vector<16xi32>
      %add3A_178 = arith.addi %add3A_166, %select_n3A_177 : vector<16xi32>
      %broadcast_in_dim3A_179 = arith.constant 6 : i32
      %broadcast_in_dim3A_180 = vector.broadcast %broadcast_in_dim3A_179 : i32 to vector<16xi32>
      %gather3A_181 = tpu.vector_load_idx %arg11[%add3A_141, %add3A_135, %broadcast_in_dim3A_180] : memref<4x128x32xf32, #tpu.memory_space<vmem>>[vector<16xi32>, vector<16xi32>, vector<16xi32>], vector<16xf32>,
      %add3A_182 = arith.addf %add3A_170, %gather3A_181 : vector<16xf32>
      %add3A_183 = arith.addf %get3A_128, %add3A_182 : vector<16xf32>
      %lt3A_184 = arith.cmpf olt, %add3A_183, %get3A_130 : vector<16xf32>
      %jit3A_185 = arith.constant 1 : i32
      %jit3A_186 = arith.constant 0 : i32
      %broadcast_in_dim3A_187 = vector.broadcast %jit3A_185 : i32 to vector<16xi32>
      %broadcast_in_dim3A_188 = vector.broadcast %jit3A_186 : i32 to vector<16xi32>
      %select_n3A_189 = arith.select %lt3A_184, %broadcast_in_dim3A_187, %broadcast_in_dim3A_188 : vector<16xi1>, vector<16xi32>
      %add3A_190 = arith.addi %add3A_178, %select_n3A_189 : vector<16xi32>
      %broadcast_in_dim3A_191 = arith.constant 8 : i32
      %broadcast_in_dim3A_192 = vector.broadcast %broadcast_in_dim3A_191 : i32 to vector<16xi32>
      %gather3A_193 = tpu.vector_load_idx %arg11[%add3A_141, %add3A_135, %broadcast_in_dim3A_192] : memref<4x128x32xf32, #tpu.memory_space<vmem>>[vector<16xi32>, vector<16xi32>, vector<16xi32>], vector<16xf32>,
      %add3A_194 = arith.addf %add3A_182, %gather3A_193 : vector<16xf32>
      %add3A_195 = arith.addf %get3A_128, %add3A_194 : vector<16xf32>
      %lt3A_196 = arith.cmpf olt, %add3A_195, %get3A_130 : vector<16xf32>
      %jit3A_197 = arith.constant 1 : i32
      %jit3A_198 = arith.constant 0 : i32
      %broadcast_in_dim3A_199 = vector.broadcast %jit3A_197 : i32 to vector<16xi32>
      %broadcast_in_dim3A_200 = vector.broadcast %jit3A_198 : i32 to vector<16xi32>
      %select_n3A_201 = arith.select %lt3A_196, %broadcast_in_dim3A_199, %broadcast_in_dim3A_200 : vector<16xi1>, vector<16xi32>
      %add3A_202 = arith.addi %add3A_190, %select_n3A_201 : vector<16xi32>
      %broadcast_in_dim3A_203 = arith.constant 10 : i32
      %broadcast_in_dim3A_204 = vector.broadcast %broadcast_in_dim3A_203 : i32 to vector<16xi32>
      %gather3A_205 = tpu.vector_load_idx %arg11[%add3A_141, %add3A_135, %broadcast_in_dim3A_204] : memref<4x128x32xf32, #tpu.memory_space<vmem>>[vector<16xi32>, vector<16xi32>, vector<16xi32>], vector<16xf32>,
      %add3A_206 = arith.addf %add3A_194, %gather3A_205 : vector<16xf32>
      %add3A_207 = arith.addf %get3A_128, %add3A_206 : vector<16xf32>
      %lt3A_208 = arith.cmpf olt, %add3A_207, %get3A_130 : vector<16xf32>
      %jit3A_209 = arith.constant 1 : i32
      %jit3A_210 = arith.constant 0 : i32
      %broadcast_in_dim3A_211 = vector.broadcast %jit3A_209 : i32 to vector<16xi32>
      %broadcast_in_dim3A_212 = vector.broadcast %jit3A_210 : i32 to vector<16xi32>
      %select_n3A_213 = arith.select %lt3A_208, %broadcast_in_dim3A_211, %broadcast_in_dim3A_212 : vector<16xi1>, vector<16xi32>
      %add3A_214 = arith.addi %add3A_202, %select_n3A_213 : vector<16xi32>
      %broadcast_in_dim3A_215 = arith.constant 12 : i32
      %broadcast_in_dim3A_216 = vector.broadcast %broadcast_in_dim3A_215 : i32 to vector<16xi32>
      %gather3A_217 = tpu.vector_load_idx %arg11[%add3A_141, %add3A_135, %broadcast_in_dim3A_216] : memref<4x128x32xf32, #tpu.memory_space<vmem>>[vector<16xi32>, vector<16xi32>, vector<16xi32>], vector<16xf32>,
      %add3A_218 = arith.addf %add3A_206, %gather3A_217 : vector<16xf32>
      %add3A_219 = arith.addf %get3A_128, %add3A_218 : vector<16xf32>
      %lt3A_220 = arith.cmpf olt, %add3A_219, %get3A_130 : vector<16xf32>
      %jit3A_221 = arith.constant 1 : i32
      %jit3A_222 = arith.constant 0 : i32
      %broadcast_in_dim3A_223 = vector.broadcast %jit3A_221 : i32 to vector<16xi32>
      %broadcast_in_dim3A_224 = vector.broadcast %jit3A_222 : i32 to vector<16xi32>
      %select_n3A_225 = arith.select %lt3A_220, %broadcast_in_dim3A_223, %broadcast_in_dim3A_224 : vector<16xi1>, vector<16xi32>
      %add3A_226 = arith.addi %add3A_214, %select_n3A_225 : vector<16xi32>
      %broadcast_in_dim3A_227 = arith.constant 14 : i32
      %broadcast_in_dim3A_228 = vector.broadcast %broadcast_in_dim3A_227 : i32 to vector<16xi32>
      %gather3A_229 = tpu.vector_load_idx %arg11[%add3A_141, %add3A_135, %broadcast_in_dim3A_228] : memref<4x128x32xf32, #tpu.memory_space<vmem>>[vector<16xi32>, vector<16xi32>, vector<16xi32>], vector<16xf32>,
      %add3A_230 = arith.addf %add3A_218, %gather3A_229 : vector<16xf32>
      %add3A_231 = arith.addf %get3A_128, %add3A_230 : vector<16xf32>
      %lt3A_232 = arith.cmpf olt, %add3A_231, %get3A_130 : vector<16xf32>
      %jit3A_233 = arith.constant 1 : i32
      %jit3A_234 = arith.constant 0 : i32
      %broadcast_in_dim3A_235 = vector.broadcast %jit3A_233 : i32 to vector<16xi32>
      %broadcast_in_dim3A_236 = vector.broadcast %jit3A_234 : i32 to vector<16xi32>
      %select_n3A_237 = arith.select %lt3A_232, %broadcast_in_dim3A_235, %broadcast_in_dim3A_236 : vector<16xi1>, vector<16xi32>
      %add3A_238 = arith.addi %add3A_226, %select_n3A_237 : vector<16xi32>
      %broadcast_in_dim3A_239 = arith.constant 16 : i32
      %broadcast_in_dim3A_240 = vector.broadcast %broadcast_in_dim3A_239 : i32 to vector<16xi32>
      %gather3A_241 = tpu.vector_load_idx %arg11[%add3A_141, %add3A_135, %broadcast_in_dim3A_240] : memref<4x128x32xf32, #tpu.memory_space<vmem>>[vector<16xi32>, vector<16xi32>, vector<16xi32>], vector<16xf32>,
      %add3A_242 = arith.addf %add3A_230, %gather3A_241 : vector<16xf32>
      %add3A_243 = arith.addf %get3A_128, %add3A_242 : vector<16xf32>
      %lt3A_244 = arith.cmpf olt, %add3A_243, %get3A_130 : vector<16xf32>
      %jit3A_245 = arith.constant 1 : i32
      %jit3A_246 = arith.constant 0 : i32
      %broadcast_in_dim3A_247 = vector.broadcast %jit3A_245 : i32 to vector<16xi32>
      %broadcast_in_dim3A_248 = vector.broadcast %jit3A_246 : i32 to vector<16xi32>
      %select_n3A_249 = arith.select %lt3A_244, %broadcast_in_dim3A_247, %broadcast_in_dim3A_248 : vector<16xi1>, vector<16xi32>
      %add3A_250 = arith.addi %add3A_238, %select_n3A_249 : vector<16xi32>
      %broadcast_in_dim3A_251 = arith.constant 18 : i32
      %broadcast_in_dim3A_252 = vector.broadcast %broadcast_in_dim3A_251 : i32 to vector<16xi32>
      %gather3A_253 = tpu.vector_load_idx %arg11[%add3A_141, %add3A_135, %broadcast_in_dim3A_252] : memref<4x128x32xf32, #tpu.memory_space<vmem>>[vector<16xi32>, vector<16xi32>, vector<16xi32>], vector<16xf32>,
      %add3A_254 = arith.addf %add3A_242, %gather3A_253 : vector<16xf32>
      %add3A_255 = arith.addf %get3A_128, %add3A_254 : vector<16xf32>
      %lt3A_256 = arith.cmpf olt, %add3A_255, %get3A_130 : vector<16xf32>
      %jit3A_257 = arith.constant 1 : i32
      %jit3A_258 = arith.constant 0 : i32
      %broadcast_in_dim3A_259 = vector.broadcast %jit3A_257 : i32 to vector<16xi32>
      %broadcast_in_dim3A_260 = vector.broadcast %jit3A_258 : i32 to vector<16xi32>
      %select_n3A_261 = arith.select %lt3A_256, %broadcast_in_dim3A_259, %broadcast_in_dim3A_260 : vector<16xi1>, vector<16xi32>
      %add3A_262 = arith.addi %add3A_250, %select_n3A_261 : vector<16xi32>
      %broadcast_in_dim3A_263 = arith.constant 20 : i32
      %broadcast_in_dim3A_264 = vector.broadcast %broadcast_in_dim3A_263 : i32 to vector<16xi32>
      %gather3A_265 = tpu.vector_load_idx %arg11[%add3A_141, %add3A_135, %broadcast_in_dim3A_264] : memref<4x128x32xf32, #tpu.memory_space<vmem>>[vector<16xi32>, vector<16xi32>, vector<16xi32>], vector<16xf32>,
      %add3A_266 = arith.addf %add3A_254, %gather3A_265 : vector<16xf32>
      %add3A_267 = arith.addf %get3A_128, %add3A_266 : vector<16xf32>
      %lt3A_268 = arith.cmpf olt, %add3A_267, %get3A_130 : vector<16xf32>
      %jit3A_269 = arith.constant 1 : i32
      %jit3A_270 = arith.constant 0 : i32
      %broadcast_in_dim3A_271 = vector.broadcast %jit3A_269 : i32 to vector<16xi32>
      %broadcast_in_dim3A_272 = vector.broadcast %jit3A_270 : i32 to vector<16xi32>
      %select_n3A_273 = arith.select %lt3A_268, %broadcast_in_dim3A_271, %broadcast_in_dim3A_272 : vector<16xi1>, vector<16xi32>
      %add3A_274 = arith.addi %add3A_262, %select_n3A_273 : vector<16xi32>
      %broadcast_in_dim3A_275 = arith.constant 22 : i32
      %broadcast_in_dim3A_276 = vector.broadcast %broadcast_in_dim3A_275 : i32 to vector<16xi32>
      %gather3A_277 = tpu.vector_load_idx %arg11[%add3A_141, %add3A_135, %broadcast_in_dim3A_276] : memref<4x128x32xf32, #tpu.memory_space<vmem>>[vector<16xi32>, vector<16xi32>, vector<16xi32>], vector<16xf32>,
      %add3A_278 = arith.addf %add3A_266, %gather3A_277 : vector<16xf32>
      %add3A_279 = arith.addf %get3A_128, %add3A_278 : vector<16xf32>
      %lt3A_280 = arith.cmpf olt, %add3A_279, %get3A_130 : vector<16xf32>
      %jit3A_281 = arith.constant 1 : i32
      %jit3A_282 = arith.constant 0 : i32
      %broadcast_in_dim3A_283 = vector.broadcast %jit3A_281 : i32 to vector<16xi32>
      %broadcast_in_dim3A_284 = vector.broadcast %jit3A_282 : i32 to vector<16xi32>
      %select_n3A_285 = arith.select %lt3A_280, %broadcast_in_dim3A_283, %broadcast_in_dim3A_284 : vector<16xi1>, vector<16xi32>
      %add3A_286 = arith.addi %add3A_274, %select_n3A_285 : vector<16xi32>
      %broadcast_in_dim3A_287 = arith.constant 24 : i32
      %broadcast_in_dim3A_288 = vector.broadcast %broadcast_in_dim3A_287 : i32 to vector<16xi32>
      %gather3A_289 = tpu.vector_load_idx %arg11[%add3A_141, %add3A_135, %broadcast_in_dim3A_288] : memref<4x128x32xf32, #tpu.memory_space<vmem>>[vector<16xi32>, vector<16xi32>, vector<16xi32>], vector<16xf32>,
      %add3A_290 = arith.addf %add3A_278, %gather3A_289 : vector<16xf32>
      %add3A_291 = arith.addf %get3A_128, %add3A_290 : vector<16xf32>
      %lt3A_292 = arith.cmpf olt, %add3A_291, %get3A_130 : vector<16xf32>
      %jit3A_293 = arith.constant 1 : i32
      %jit3A_294 = arith.constant 0 : i32
      %broadcast_in_dim3A_295 = vector.broadcast %jit3A_293 : i32 to vector<16xi32>
      %broadcast_in_dim3A_296 = vector.broadcast %jit3A_294 : i32 to vector<16xi32>
      %select_n3A_297 = arith.select %lt3A_292, %broadcast_in_dim3A_295, %broadcast_in_dim3A_296 : vector<16xi1>, vector<16xi32>
      %add3A_298 = arith.addi %add3A_286, %select_n3A_297 : vector<16xi32>
      %broadcast_in_dim3A_299 = arith.constant 26 : i32
      %broadcast_in_dim3A_300 = vector.broadcast %broadcast_in_dim3A_299 : i32 to vector<16xi32>
      %gather3A_301 = tpu.vector_load_idx %arg11[%add3A_141, %add3A_135, %broadcast_in_dim3A_300] : memref<4x128x32xf32, #tpu.memory_space<vmem>>[vector<16xi32>, vector<16xi32>, vector<16xi32>], vector<16xf32>,
      %add3A_302 = arith.addf %add3A_290, %gather3A_301 : vector<16xf32>
      %add3A_303 = arith.addf %get3A_128, %add3A_302 : vector<16xf32>
      %lt3A_304 = arith.cmpf olt, %add3A_303, %get3A_130 : vector<16xf32>
      %jit3A_305 = arith.constant 1 : i32
      %jit3A_306 = arith.constant 0 : i32
      %broadcast_in_dim3A_307 = vector.broadcast %jit3A_305 : i32 to vector<16xi32>
      %broadcast_in_dim3A_308 = vector.broadcast %jit3A_306 : i32 to vector<16xi32>
      %select_n3A_309 = arith.select %lt3A_304, %broadcast_in_dim3A_307, %broadcast_in_dim3A_308 : vector<16xi1>, vector<16xi32>
      %add3A_310 = arith.addi %add3A_298, %select_n3A_309 : vector<16xi32>
      %broadcast_in_dim3A_311 = arith.constant 28 : i32
      %broadcast_in_dim3A_312 = vector.broadcast %broadcast_in_dim3A_311 : i32 to vector<16xi32>
      %gather3A_313 = tpu.vector_load_idx %arg11[%add3A_141, %add3A_135, %broadcast_in_dim3A_312] : memref<4x128x32xf32, #tpu.memory_space<vmem>>[vector<16xi32>, vector<16xi32>, vector<16xi32>], vector<16xf32>,
      %add3A_314 = arith.addf %add3A_302, %gather3A_313 : vector<16xf32>
      %add3A_315 = arith.addf %get3A_128, %add3A_314 : vector<16xf32>
      %lt3A_316 = arith.cmpf olt, %add3A_315, %get3A_130 : vector<16xf32>
      %jit3A_317 = arith.constant 1 : i32
      %jit3A_318 = arith.constant 0 : i32
      %broadcast_in_dim3A_319 = vector.broadcast %jit3A_317 : i32 to vector<16xi32>
      %broadcast_in_dim3A_320 = vector.broadcast %jit3A_318 : i32 to vector<16xi32>
      %select_n3A_321 = arith.select %lt3A_316, %broadcast_in_dim3A_319, %broadcast_in_dim3A_320 : vector<16xi1>, vector<16xi32>
      %add3A_322 = arith.addi %add3A_310, %select_n3A_321 : vector<16xi32>
      %broadcast_in_dim3A_323 = arith.constant 30 : i32
      %broadcast_in_dim3A_324 = vector.broadcast %broadcast_in_dim3A_323 : i32 to vector<16xi32>
      %gather3A_325 = tpu.vector_load_idx %arg11[%add3A_141, %add3A_135, %broadcast_in_dim3A_324] : memref<4x128x32xf32, #tpu.memory_space<vmem>>[vector<16xi32>, vector<16xi32>, vector<16xi32>], vector<16xf32>,
      %add3A_326 = arith.addf %add3A_314, %gather3A_325 : vector<16xf32>
      %add3A_327 = arith.addf %get3A_128, %add3A_326 : vector<16xf32>
      %lt3A_328 = arith.cmpf olt, %add3A_327, %get3A_130 : vector<16xf32>
      %jit3A_329 = arith.constant 1 : i32
      %jit3A_330 = arith.constant 0 : i32
      %broadcast_in_dim3A_331 = vector.broadcast %jit3A_329 : i32 to vector<16xi32>
      %broadcast_in_dim3A_332 = vector.broadcast %jit3A_330 : i32 to vector<16xi32>
      %select_n3A_333 = arith.select %lt3A_328, %broadcast_in_dim3A_331, %broadcast_in_dim3A_332 : vector<16xi1>, vector<16xi32>
      %add3A_334 = arith.addi %add3A_322, %select_n3A_333 : vector<16xi32>
      %add3A_335 = arith.addi %get3A_126, %add3A_334 : vector<16xi32>
      %min3A = arith.constant 399 : i32
      %min3A_336 = vector.broadcast %min3A : i32 to vector<16xi32>
      %min3A_337 = arith.minsi %add3A_335, %min3A_336 : vector<16xi32>
      %mul3A_338 = arith.constant 400 : i32
      %mul3A_339 = vector.broadcast %mul3A_338 : i32 to vector<16xi32>
      %mul3A_340 = arith.muli %get3A_124, %mul3A_339 : vector<16xi32>
      %add3A_341 = arith.addi %mul3A_340, %min3A_337 : vector<16xi32>
      %swap3A = arith.index_cast %multiple_of3A : i32 to index
      %swap3A_342 = tpu.vector_load %arg16[%swap3A] {strides = array<i32>} : memref<512xi32, #tpu.memory_space<vmem>>, vector<16xi32>,
      tpu.vector_store %arg16[%swap3A], %add3A_341 {strides = array<i32>} : memref<512xi32, #tpu.memory_space<vmem>>, vector<16xi32>,
      %scan3A_343 = arith.constant 0 : i32
      scf.yield %scan3A_343 : i32
    }
    %scan3A_117 = arith.constant 32 : i32
    %mul3A_118 = arith.constant 512 : i32
    %mul3A_119 = arith.muli %add3A, %mul3A_118 : i32
    "tpu.region"() ({
      %run_scoped3A = tpu.sem_alloc : memref<!tpu.dma_semaphore, #tpu.memory_space<semaphore_mem>>
      %dma_start3A_120 = tpu.memref_slice %arg6[%mul3A_119] : memref<16384xi32, #tpu.memory_space<hbm>> -> memref<512xi32, #tpu.memory_space<hbm>>
      %dma_start3A_121 = tpu.memref_slice %arg6[%mul3A_119] : memref<16384xi32, #tpu.memory_space<hbm>> -> memref<512xi32, #tpu.memory_space<hbm>>
      tpu.enqueue_dma source(%arg16 : memref<512xi32, #tpu.memory_space<vmem>>) target(%dma_start3A_121 : memref<512xi32, #tpu.memory_space<hbm>>) target_semaphore(%run_scoped3A : memref<!tpu.dma_semaphore, #tpu.memory_space<semaphore_mem>>)
      %dma_wait3A_122 = tpu.memref_slice %arg6[%mul3A_119] : memref<16384xi32, #tpu.memory_space<hbm>> -> memref<512xi32, #tpu.memory_space<hbm>>
      %dma_wait3A_123 = tpu.memref_slice %arg6[%mul3A_119] : memref<16384xi32, #tpu.memory_space<hbm>> -> memref<512xi32, #tpu.memory_space<hbm>>
      tpu.wait_dma2 semaphore(%run_scoped3A : memref<!tpu.dma_semaphore, #tpu.memory_space<semaphore_mem>>) src(%arg16 : memref<512xi32, #tpu.memory_space<vmem>>) dst(%dma_wait3A_123 : memref<512xi32, #tpu.memory_space<hbm>>)
      tpu.yield
    }) : () -> ()
    return
  }
}

module attributes {stable_mosaic.version = 14 : i64} {
  func.func @_prep_body(%arg0: i32, %arg1: memref<16x400x1600xf32, #tpu.memory_space<any>>, %arg2: memref<1x1x400xf32, #tpu.memory_space<vmem>>, %arg3: memref<1x400x26xf32, #tpu.memory_space<vmem>>, %arg4: memref<400x896xf32, #tpu.memory_space<vmem>>, %arg5: memref<!tpu.dma_semaphore, #tpu.memory_space<semaphore_mem>>) attributes {dimension_semantics = [#tpu.dimension_semantics<arbitrary>], iteration_bounds = array<i64: 16>, scalar_prefetch = 0 : i64, scratch_operands = 2 : i64, tpu.core_type = #tpu.core_type<tc>, window_params = [{}, {transform_indices = @transform_1, window_bounds = array<i64: 1, 1, 400>}, {transform_indices = @transform_2, window_bounds = array<i64: 1, 400, 26>}]} {
    %dma_start3A = arith.constant 0 : i32
    %dma_start3A_0 = arith.constant 0 : i32
    %dma_start3A_1 = tpu.memref_slice %arg1[%arg0, %dma_start3A, %dma_start3A_0] : memref<16x400x1600xf32, #tpu.memory_space<any>> -> memref<1x400x896xf32, #tpu.memory_space<any>>
    %dma_start3A_2 = tpu.memref_squeeze %dma_start3A_1 : memref<1x400x896xf32, #tpu.memory_space<any>> -> memref<400x896xf32, #tpu.memory_space<any>>
    tpu.enqueue_dma source(%dma_start3A_2 : memref<400x896xf32, #tpu.memory_space<any>>) target(%arg4 : memref<400x896xf32, #tpu.memory_space<vmem>>) target_semaphore(%arg5 : memref<!tpu.dma_semaphore, #tpu.memory_space<semaphore_mem>>)
    %dma_wait3A = arith.constant 0 : i32
    %dma_wait3A_3 = arith.constant 0 : i32
    %dma_wait3A_4 = tpu.memref_slice %arg1[%arg0, %dma_wait3A, %dma_wait3A_3] : memref<16x400x1600xf32, #tpu.memory_space<any>> -> memref<1x400x896xf32, #tpu.memory_space<any>>
    %dma_wait3A_5 = tpu.memref_squeeze %dma_wait3A_4 : memref<1x400x896xf32, #tpu.memory_space<any>> -> memref<400x896xf32, #tpu.memory_space<any>>
    tpu.wait_dma2 semaphore(%arg5 : memref<!tpu.dma_semaphore, #tpu.memory_space<semaphore_mem>>) src(%dma_wait3A_5 : memref<400x896xf32, #tpu.memory_space<any>>) dst(%arg4 : memref<400x896xf32, #tpu.memory_space<vmem>>)
    %get3A = arith.constant 0 : index
    %get3A_6 = arith.constant 0 : index
    %get3A_7 = vector.load %arg4[%get3A, %get3A_6] : memref<400x896xf32, #tpu.memory_space<vmem>>, vector<400x896xf32>
    %iota3A = tpu.iota {dimensions = array<i32: 1>} : vector<400x896xi32>
    %jit3A = arith.constant 2 : i32
    %eq3A = arith.constant 0 : i32
    %eq3A_8 = arith.cmpi eq, %jit3A, %eq3A : i32
    %jit3A_9 = arith.constant 1 : i32
    %select_n3A = arith.select %eq3A_8, %jit3A_9, %jit3A : i32
    %rem3A = vector.broadcast %select_n3A : i32 to vector<400x896xi32>
    %rem3A_10 = arith.remsi %iota3A, %rem3A : vector<400x896xi32>
    %ne3A = arith.constant 0 : i32
    %ne3A_11 = vector.broadcast %ne3A : i32 to vector<400x896xi32>
    %ne3A_12 = arith.cmpi ne, %rem3A_10, %ne3A_11 : vector<400x896xi32>
    %lt3A = arith.constant 0 : i32
    %lt3A_13 = vector.broadcast %lt3A : i32 to vector<400x896xi32>
    %lt3A_14 = arith.cmpi slt, %rem3A_10, %lt3A_13 : vector<400x896xi32>
    %lt3A_15 = arith.constant 0 : i32
    %lt3A_16 = arith.cmpi slt, %select_n3A, %lt3A_15 : i32
    %ne3A_17 = vector.broadcast %lt3A_16 : i1 to vector<400x896xi1>
    %ne3A_18 = vector.broadcast %ne3A_17 : vector<400x896xi1> to vector<400x896xi1>
    %ne3A_19 = arith.xori %lt3A_14, %ne3A_18 : vector<400x896xi1>
    %and3A = arith.andi %ne3A_19, %ne3A_12 : vector<400x896xi1>
    %add3A = vector.broadcast %select_n3A : i32 to vector<400x896xi32>
    %add3A_20 = arith.addi %rem3A_10, %add3A : vector<400x896xi32>
    %select_n3A_21 = arith.select %and3A, %add3A_20, %rem3A_10 : vector<400x896xi1>, vector<400x896xi32>
    %eq3A_22 = arith.constant 0 : i32
    %eq3A_23 = vector.broadcast %eq3A_22 : i32 to vector<400x896xi32>
    %eq3A_24 = arith.cmpi eq, %select_n3A_21, %eq3A_23 : vector<400x896xi32>
    %lt3A_25 = arith.constant 800 : i32
    %lt3A_26 = vector.broadcast %lt3A_25 : i32 to vector<400x896xi32>
    %lt3A_27 = arith.cmpi slt, %iota3A, %lt3A_26 : vector<400x896xi32>
    %and3A_28 = arith.andi %eq3A_24, %lt3A_27 : vector<400x896xi1>
    %jit3A_29 = arith.constant 0.000000e+00 : f32
    %broadcast_in_dim3A = vector.broadcast %jit3A_29 : f32 to vector<400x896xf32>
    %select_n3A_30 = arith.select %and3A_28, %get3A_7, %broadcast_in_dim3A : vector<400x896xi1>, vector<400x896xf32>
    %iota3A_31 = tpu.iota {dimensions = array<i32: 0>} : vector<896x25xi32>
    %iota3A_32 = tpu.iota {dimensions = array<i32: 1>} : vector<896x25xi32>
    %jit3A_33 = arith.constant 32 : i32
    %div3A = vector.broadcast %jit3A_33 : i32 to vector<896x25xi32>
    %div3A_34 = arith.divsi %iota3A_31, %div3A : vector<896x25xi32>
    %sign3A = arith.constant 0 : i32
    %sign3A_35 = vector.broadcast %sign3A : i32 to vector<896x25xi32>
    %sign3A_36 = arith.cmpi sgt, %iota3A_31, %sign3A_35 : vector<896x25xi32>
    %sign3A_37 = arith.extui %sign3A_36 : vector<896x25xi1> to vector<896x25xi32>
    %sign3A_38 = arith.constant 0 : i32
    %sign3A_39 = vector.broadcast %sign3A_38 : i32 to vector<896x25xi32>
    %sign3A_40 = arith.cmpi slt, %iota3A_31, %sign3A_39 : vector<896x25xi32>
    %sign3A_41 = arith.extui %sign3A_40 : vector<896x25xi1> to vector<896x25xi32>
    %sign3A_42 = arith.subi %sign3A_37, %sign3A_41 : vector<896x25xi32>
    %sign3A_43 = arith.constant 0 : i32
    %sign3A_44 = arith.cmpi sgt, %jit3A_33, %sign3A_43 : i32
    %sign3A_45 = arith.extui %sign3A_44 : i1 to i32
    %sign3A_46 = arith.constant 0 : i32
    %sign3A_47 = arith.cmpi slt, %jit3A_33, %sign3A_46 : i32
    %sign3A_48 = arith.extui %sign3A_47 : i1 to i32
    %sign3A_49 = arith.subi %sign3A_45, %sign3A_48 : i32
    %ne3A_50 = vector.broadcast %sign3A_49 : i32 to vector<896x25xi32>
    %ne3A_51 = arith.cmpi ne, %sign3A_42, %ne3A_50 : vector<896x25xi32>
    %rem3A_52 = vector.broadcast %jit3A_33 : i32 to vector<896x25xi32>
    %rem3A_53 = arith.remsi %iota3A_31, %rem3A_52 : vector<896x25xi32>
    %ne3A_54 = arith.constant 0 : i32
    %ne3A_55 = vector.broadcast %ne3A_54 : i32 to vector<896x25xi32>
    %ne3A_56 = arith.cmpi ne, %rem3A_53, %ne3A_55 : vector<896x25xi32>
    %and3A_57 = arith.andi %ne3A_51, %ne3A_56 : vector<896x25xi1>
    %sub3A = arith.constant 1 : i32
    %sub3A_58 = vector.broadcast %sub3A : i32 to vector<896x25xi32>
    %sub3A_59 = arith.subi %div3A_34, %sub3A_58 : vector<896x25xi32>
    %select_n3A_60 = arith.select %and3A_57, %sub3A_59, %div3A_34 : vector<896x25xi1>, vector<896x25xi32>
    %eq3A_61 = arith.cmpi eq, %select_n3A_60, %iota3A_32 : vector<896x25xi32>
    %convert_element_type3A = arith.extui %eq3A_61 : vector<896x25xi1> to vector<896x25xi32>
    %convert_element_type3A_62 = arith.sitofp %convert_element_type3A : vector<896x25xi32> to vector<896x25xf32>
    %dot_general3A = arith.constant dense<0.000000e+00> : vector<400x25xf32>
    %dot_general3A_63 = tpu.matmul %select_n3A_30, %convert_element_type3A_62, %dot_general3A {dimension_numbers = #tpu.dot_dimension_numbers<[1], [0], [0], [1], [0, 0, 1, 1], [], []>, precision = #tpu.contract_precision<fp32>, transpose_lhs_hint = false} : vector<400x896xf32>, vector<896x25xf32>, vector<400x25xf32> -> vector<400x25xf32>
    %iota3A_64 = tpu.iota {dimensions = array<i32: 0>} : vector<25x25xi32>
    %iota3A_65 = tpu.iota {dimensions = array<i32: 1>} : vector<25x25xi32>
    %le3A = arith.cmpi sle, %iota3A_64, %iota3A_65 : vector<25x25xi32>
    %convert_element_type3A_66 = arith.extui %le3A : vector<25x25xi1> to vector<25x25xi32>
    %convert_element_type3A_67 = arith.sitofp %convert_element_type3A_66 : vector<25x25xi32> to vector<25x25xf32>
    %dot_general3A_68 = arith.constant dense<0.000000e+00> : vector<400x25xf32>
    %dot_general3A_69 = tpu.matmul %dot_general3A_63, %convert_element_type3A_67, %dot_general3A_68 {dimension_numbers = #tpu.dot_dimension_numbers<[1], [0], [0], [1], [0, 0, 1, 1], [], []>, precision = #tpu.contract_precision<fp32>, transpose_lhs_hint = false} : vector<400x25xf32>, vector<25x25xf32>, vector<400x25xf32> -> vector<400x25xf32>
    %slice3A = vector.extract_strided_slice %dot_general3A_69 {offsets = [0, 24], sizes = [400, 1], strides = [1, 1]} : vector<400x25xf32> to vector<400x1xf32>
    %iota3A_70 = tpu.iota {dimensions = array<i32: 0>} : vector<400x400xi32>
    %iota3A_71 = tpu.iota {dimensions = array<i32: 1>} : vector<400x400xi32>
    %le3A_72 = arith.cmpi sle, %iota3A_70, %iota3A_71 : vector<400x400xi32>
    %convert_element_type3A_73 = arith.extui %le3A_72 : vector<400x400xi1> to vector<400x400xi32>
    %convert_element_type3A_74 = arith.sitofp %convert_element_type3A_73 : vector<400x400xi32> to vector<400x400xf32>
    %lt3A_75 = arith.cmpi slt, %iota3A_70, %iota3A_71 : vector<400x400xi32>
    %convert_element_type3A_76 = arith.extui %lt3A_75 : vector<400x400xi1> to vector<400x400xi32>
    %convert_element_type3A_77 = arith.sitofp %convert_element_type3A_76 : vector<400x400xi32> to vector<400x400xf32>
    %dot_general3A_78 = arith.constant dense<0.000000e+00> : vector<1x400xf32>
    %dot_general3A_79 = tpu.matmul %slice3A, %convert_element_type3A_74, %dot_general3A_78 {dimension_numbers = #tpu.dot_dimension_numbers<[0], [0], [1], [1], [0, 1, 1, 1], [], []>, precision = #tpu.contract_precision<fp32>, transpose_lhs_hint = false} : vector<400x1xf32>, vector<400x400xf32>, vector<1x400xf32> -> vector<1x400xf32>
    %dot_general3A_80 = arith.constant dense<0.000000e+00> : vector<1x400xf32>
    %dot_general3A_81 = tpu.matmul %slice3A, %convert_element_type3A_77, %dot_general3A_80 {dimension_numbers = #tpu.dot_dimension_numbers<[0], [0], [1], [1], [0, 1, 1, 1], [], []>, precision = #tpu.contract_precision<fp32>, transpose_lhs_hint = false} : vector<400x1xf32>, vector<400x400xf32>, vector<1x400xf32> -> vector<1x400xf32>
    %transpose3A = tpu.transpose %dot_general3A_81, [1, 0] : vector<1x400xf32> -> vector<400x1xf32>
    %swap3A = arith.constant 0 : index
    %swap3A_82 = arith.constant 0 : index
    %swap3A_83 = arith.constant 0 : index
    %swap3A_84 = vector.load %arg2[%swap3A, %swap3A_82, %swap3A_83] : memref<1x1x400xf32, #tpu.memory_space<vmem>>, vector<1x1x400xf32>
    %swap3A_85 = vector.shape_cast %swap3A_84 : vector<1x1x400xf32> to vector<1x400xf32>
    %swap3A_86 = vector.shape_cast %dot_general3A_79 : vector<1x400xf32> to vector<1x1x400xf32>
    tpu.vector_store %arg2[%swap3A, %swap3A_82, %swap3A_83], %swap3A_86 {strides = array<i32>} : memref<1x1x400xf32, #tpu.memory_space<vmem>>, vector<1x1x400xf32>,
    %add3A_87 = vector.broadcast %transpose3A : vector<400x1xf32> to vector<400x25xf32>
    %add3A_88 = arith.addf %dot_general3A_69, %add3A_87 : vector<400x25xf32>
    %concatenate3A = tpu.concatenate %transpose3A, %add3A_88 in 1 : vector<400x1xf32>, vector<400x25xf32> -> vector<400x26xf32>
    %swap3A_89 = arith.constant 0 : index
    %swap3A_90 = arith.constant 0 : index
    %swap3A_91 = arith.constant 0 : index
    %swap3A_92 = vector.load %arg3[%swap3A_89, %swap3A_90, %swap3A_91] : memref<1x400x26xf32, #tpu.memory_space<vmem>>, vector<1x400x26xf32>
    %swap3A_93 = vector.shape_cast %swap3A_92 : vector<1x400x26xf32> to vector<400x26xf32>
    %swap3A_94 = vector.shape_cast %concatenate3A : vector<400x26xf32> to vector<1x400x26xf32>
    tpu.vector_store %arg3[%swap3A_89, %swap3A_90, %swap3A_91], %swap3A_94 {strides = array<i32>} : memref<1x400x26xf32, #tpu.memory_space<vmem>>, vector<1x400x26xf32>,
    return
  }
  func.func @transform_1(%arg0: i32) -> (i32, i32, i32) {
    %c0_i32 = arith.constant 0 : i32
    %c0_i32_0 = arith.constant 0 : i32
    %c0_i32_1 = arith.constant 0 : i32
    return %arg0, %c0_i32, %c0_i32_0 : i32, i32, i32
  }
  func.func @transform_2(%arg0: i32) -> (i32, i32, i32) {
    %c0_i32 = arith.constant 0 : i32
    %c0_i32_0 = arith.constant 0 : i32
    %c0_i32_1 = arith.constant 0 : i32
    return %arg0, %c0_i32, %c0_i32_0 : i32, i32, i32
  }
}

module attributes {stable_mosaic.version = 14 : i64} {
  func.func @_fin_body(%arg0: i32, %arg1: memref<1x1024x1xi32, #tpu.memory_space<vmem>>, %arg2: memref<1x3x3xf32, #tpu.memory_space<vmem>>, %arg3: memref<1x1x8xf32, #tpu.memory_space<vmem>>, %arg4: memref<1x1024x72xf32, #tpu.memory_space<vmem>>) attributes {dimension_semantics = [#tpu.dimension_semantics<arbitrary>], iteration_bounds = array<i64: 16>, scalar_prefetch = 0 : i64, scratch_operands = 0 : i64, tpu.core_type = #tpu.core_type<tc>, window_params = [{transform_indices = @transform_0, window_bounds = array<i64: 1, 1024, 1>}, {transform_indices = @transform_1, window_bounds = array<i64: 1, 3, 3>}, {transform_indices = @transform_2, window_bounds = array<i64: 1, 1, 8>}, {transform_indices = @transform_3, window_bounds = array<i64: 1, 1024, 72>}]} {
    %get3A = arith.constant 0 : index
    %get3A_0 = arith.constant 0 : index
    %get3A_1 = arith.constant 0 : index
    %get3A_2 = vector.load %arg1[%get3A, %get3A_0, %get3A_1] : memref<1x1024x1xi32, #tpu.memory_space<vmem>>, vector<1x1024x1xi32>
    %get3A_3 = vector.shape_cast %get3A_2 : vector<1x1024x1xi32> to vector<1024x1xi32>
    %jit3A = arith.constant 400 : i32
    %div3A = vector.broadcast %jit3A : i32 to vector<1024x1xi32>
    %div3A_4 = arith.divsi %get3A_3, %div3A : vector<1024x1xi32>
    %sign3A = arith.constant 0 : i32
    %sign3A_5 = vector.broadcast %sign3A : i32 to vector<1024x1xi32>
    %sign3A_6 = arith.cmpi sgt, %get3A_3, %sign3A_5 : vector<1024x1xi32>
    %sign3A_7 = arith.extui %sign3A_6 : vector<1024x1xi1> to vector<1024x1xi32>
    %sign3A_8 = arith.constant 0 : i32
    %sign3A_9 = vector.broadcast %sign3A_8 : i32 to vector<1024x1xi32>
    %sign3A_10 = arith.cmpi slt, %get3A_3, %sign3A_9 : vector<1024x1xi32>
    %sign3A_11 = arith.extui %sign3A_10 : vector<1024x1xi1> to vector<1024x1xi32>
    %sign3A_12 = arith.subi %sign3A_7, %sign3A_11 : vector<1024x1xi32>
    %sign3A_13 = arith.constant 0 : i32
    %sign3A_14 = arith.cmpi sgt, %jit3A, %sign3A_13 : i32
    %sign3A_15 = arith.extui %sign3A_14 : i1 to i32
    %sign3A_16 = arith.constant 0 : i32
    %sign3A_17 = arith.cmpi slt, %jit3A, %sign3A_16 : i32
    %sign3A_18 = arith.extui %sign3A_17 : i1 to i32
    %sign3A_19 = arith.subi %sign3A_15, %sign3A_18 : i32
    %ne3A = vector.broadcast %sign3A_19 : i32 to vector<1024x1xi32>
    %ne3A_20 = arith.cmpi ne, %sign3A_12, %ne3A : vector<1024x1xi32>
    %rem3A = vector.broadcast %jit3A : i32 to vector<1024x1xi32>
    %rem3A_21 = arith.remsi %get3A_3, %rem3A : vector<1024x1xi32>
    %ne3A_22 = arith.constant 0 : i32
    %ne3A_23 = vector.broadcast %ne3A_22 : i32 to vector<1024x1xi32>
    %ne3A_24 = arith.cmpi ne, %rem3A_21, %ne3A_23 : vector<1024x1xi32>
    %and3A = arith.andi %ne3A_20, %ne3A_24 : vector<1024x1xi1>
    %sub3A = arith.constant 1 : i32
    %sub3A_25 = vector.broadcast %sub3A : i32 to vector<1024x1xi32>
    %sub3A_26 = arith.subi %div3A_4, %sub3A_25 : vector<1024x1xi32>
    %select_n3A = arith.select %and3A, %sub3A_26, %div3A_4 : vector<1024x1xi1>, vector<1024x1xi32>
    %convert_element_type3A = arith.sitofp %select_n3A : vector<1024x1xi32> to vector<1024x1xf32>
    %jit3A_27 = arith.constant 400 : i32
    %eq3A = arith.constant 0 : i32
    %eq3A_28 = arith.cmpi eq, %jit3A_27, %eq3A : i32
    %jit3A_29 = arith.constant 1 : i32
    %select_n3A_30 = arith.select %eq3A_28, %jit3A_29, %jit3A_27 : i32
    %rem3A_31 = vector.broadcast %select_n3A_30 : i32 to vector<1024x1xi32>
    %rem3A_32 = arith.remsi %get3A_3, %rem3A_31 : vector<1024x1xi32>
    %ne3A_33 = arith.constant 0 : i32
    %ne3A_34 = vector.broadcast %ne3A_33 : i32 to vector<1024x1xi32>
    %ne3A_35 = arith.cmpi ne, %rem3A_32, %ne3A_34 : vector<1024x1xi32>
    %lt3A = arith.constant 0 : i32
    %lt3A_36 = vector.broadcast %lt3A : i32 to vector<1024x1xi32>
    %lt3A_37 = arith.cmpi slt, %rem3A_32, %lt3A_36 : vector<1024x1xi32>
    %lt3A_38 = arith.constant 0 : i32
    %lt3A_39 = arith.cmpi slt, %select_n3A_30, %lt3A_38 : i32
    %ne3A_40 = vector.broadcast %lt3A_39 : i1 to vector<1024x1xi1>
    %ne3A_41 = vector.broadcast %ne3A_40 : vector<1024x1xi1> to vector<1024x1xi1>
    %ne3A_42 = arith.xori %lt3A_37, %ne3A_41 : vector<1024x1xi1>
    %and3A_43 = arith.andi %ne3A_42, %ne3A_35 : vector<1024x1xi1>
    %add3A = vector.broadcast %select_n3A_30 : i32 to vector<1024x1xi32>
    %add3A_44 = arith.addi %rem3A_32, %add3A : vector<1024x1xi32>
    %select_n3A_45 = arith.select %and3A_43, %add3A_44, %rem3A_32 : vector<1024x1xi1>, vector<1024x1xi32>
    %convert_element_type3A_46 = arith.sitofp %select_n3A_45 : vector<1024x1xi32> to vector<1024x1xf32>
    %mul3A = arith.constant -5.000000e-03 : f32
    %mul3A_47 = vector.broadcast %mul3A : f32 to vector<1024x1xf32>
    %mul3A_48 = arith.mulf %convert_element_type3A_46, %mul3A_47 : vector<1024x1xf32>
    %add3A_49 = arith.constant 9.975000e-01 : f32
    %add3A_50 = vector.broadcast %add3A_49 : f32 to vector<1024x1xf32>
    %add3A_51 = arith.addf %add3A_50, %mul3A_48 : vector<1024x1xf32>
    %mul3A_52 = arith.constant -5.000000e-03 : f32
    %mul3A_53 = vector.broadcast %mul3A_52 : f32 to vector<1024x1xf32>
    %mul3A_54 = arith.mulf %convert_element_type3A, %mul3A_53 : vector<1024x1xf32>
    %add3A_55 = arith.constant 9.975000e-01 : f32
    %add3A_56 = vector.broadcast %add3A_55 : f32 to vector<1024x1xf32>
    %add3A_57 = arith.addf %add3A_56, %mul3A_54 : vector<1024x1xf32>
    %get3A_58 = arith.constant 0 : index
    %get3A_59 = arith.constant 0 : index
    %get3A_60 = arith.constant 3 : index
    %get3A_61 = vector.load %arg3[%get3A_58, %get3A_59, %get3A_60] : memref<1x1x8xf32, #tpu.memory_space<vmem>>, vector<1x1x1xf32>
    %get3A_62 = vector.extract %get3A_61[0, 0, 0] : f32 from vector<1x1x1xf32>
    %get3A_63 = arith.constant 0 : index
    %get3A_64 = arith.constant 0 : index
    %get3A_65 = arith.constant 4 : index
    %get3A_66 = vector.load %arg3[%get3A_63, %get3A_64, %get3A_65] : memref<1x1x8xf32, #tpu.memory_space<vmem>>, vector<1x1x1xf32>
    %get3A_67 = vector.extract %get3A_66[0, 0, 0] : f32 from vector<1x1x1xf32>
    %get3A_68 = arith.constant 0 : index
    %get3A_69 = arith.constant 0 : index
    %get3A_70 = arith.constant 5 : index
    %get3A_71 = vector.load %arg3[%get3A_68, %get3A_69, %get3A_70] : memref<1x1x8xf32, #tpu.memory_space<vmem>>, vector<1x1x1xf32>
    %get3A_72 = vector.extract %get3A_71[0, 0, 0] : f32 from vector<1x1x1xf32>
    %get3A_73 = arith.constant 0 : index
    %get3A_74 = arith.constant 0 : index
    %get3A_75 = arith.constant 6 : index
    %get3A_76 = vector.load %arg3[%get3A_73, %get3A_74, %get3A_75] : memref<1x1x8xf32, #tpu.memory_space<vmem>>, vector<1x1x1xf32>
    %get3A_77 = vector.extract %get3A_76[0, 0, 0] : f32 from vector<1x1x1xf32>
    %sub3A_78 = vector.broadcast %get3A_72 : f32 to vector<1024x1xf32>
    %sub3A_79 = arith.subf %add3A_51, %sub3A_78 : vector<1024x1xf32>
    %div3A_80 = vector.broadcast %get3A_62 : f32 to vector<1024x1xf32>
    %div3A_81 = arith.divf %sub3A_79, %div3A_80 : vector<1024x1xf32>
    %sub3A_82 = vector.broadcast %get3A_77 : f32 to vector<1024x1xf32>
    %sub3A_83 = arith.subf %add3A_57, %sub3A_82 : vector<1024x1xf32>
    %div3A_84 = vector.broadcast %get3A_67 : f32 to vector<1024x1xf32>
    %div3A_85 = arith.divf %sub3A_83, %div3A_84 : vector<1024x1xf32>
    %get3A_86 = arith.constant 0 : index
    %get3A_87 = arith.constant 0 : index
    %get3A_88 = arith.constant 0 : index
    %get3A_89 = vector.load %arg2[%get3A_86, %get3A_87, %get3A_88] : memref<1x3x3xf32, #tpu.memory_space<vmem>>, vector<1x1x1xf32>
    %get3A_90 = vector.extract %get3A_89[0, 0, 0] : f32 from vector<1x1x1xf32>
    %get3A_91 = arith.constant 0 : index
    %get3A_92 = arith.constant 0 : index
    %get3A_93 = arith.constant 1 : index
    %get3A_94 = vector.load %arg2[%get3A_91, %get3A_92, %get3A_93] : memref<1x3x3xf32, #tpu.memory_space<vmem>>, vector<1x1x1xf32>
    %get3A_95 = vector.extract %get3A_94[0, 0, 0] : f32 from vector<1x1x1xf32>
    %get3A_96 = arith.constant 0 : index
    %get3A_97 = arith.constant 0 : index
    %get3A_98 = arith.constant 2 : index
    %get3A_99 = vector.load %arg2[%get3A_96, %get3A_97, %get3A_98] : memref<1x3x3xf32, #tpu.memory_space<vmem>>, vector<1x1x1xf32>
    %get3A_100 = vector.extract %get3A_99[0, 0, 0] : f32 from vector<1x1x1xf32>
    %get3A_101 = arith.constant 0 : index
    %get3A_102 = arith.constant 1 : index
    %get3A_103 = arith.constant 0 : index
    %get3A_104 = vector.load %arg2[%get3A_101, %get3A_102, %get3A_103] : memref<1x3x3xf32, #tpu.memory_space<vmem>>, vector<1x1x1xf32>
    %get3A_105 = vector.extract %get3A_104[0, 0, 0] : f32 from vector<1x1x1xf32>
    %get3A_106 = arith.constant 0 : index
    %get3A_107 = arith.constant 1 : index
    %get3A_108 = arith.constant 1 : index
    %get3A_109 = vector.load %arg2[%get3A_106, %get3A_107, %get3A_108] : memref<1x3x3xf32, #tpu.memory_space<vmem>>, vector<1x1x1xf32>
    %get3A_110 = vector.extract %get3A_109[0, 0, 0] : f32 from vector<1x1x1xf32>
    %get3A_111 = arith.constant 0 : index
    %get3A_112 = arith.constant 1 : index
    %get3A_113 = arith.constant 2 : index
    %get3A_114 = vector.load %arg2[%get3A_111, %get3A_112, %get3A_113] : memref<1x3x3xf32, #tpu.memory_space<vmem>>, vector<1x1x1xf32>
    %get3A_115 = vector.extract %get3A_114[0, 0, 0] : f32 from vector<1x1x1xf32>
    %get3A_116 = arith.constant 0 : index
    %get3A_117 = arith.constant 2 : index
    %get3A_118 = arith.constant 0 : index
    %get3A_119 = vector.load %arg2[%get3A_116, %get3A_117, %get3A_118] : memref<1x3x3xf32, #tpu.memory_space<vmem>>, vector<1x1x1xf32>
    %get3A_120 = vector.extract %get3A_119[0, 0, 0] : f32 from vector<1x1x1xf32>
    %get3A_121 = arith.constant 0 : index
    %get3A_122 = arith.constant 2 : index
    %get3A_123 = arith.constant 1 : index
    %get3A_124 = vector.load %arg2[%get3A_121, %get3A_122, %get3A_123] : memref<1x3x3xf32, #tpu.memory_space<vmem>>, vector<1x1x1xf32>
    %get3A_125 = vector.extract %get3A_124[0, 0, 0] : f32 from vector<1x1x1xf32>
    %get3A_126 = arith.constant 0 : index
    %get3A_127 = arith.constant 2 : index
    %get3A_128 = arith.constant 2 : index
    %get3A_129 = vector.load %arg2[%get3A_126, %get3A_127, %get3A_128] : memref<1x3x3xf32, #tpu.memory_space<vmem>>, vector<1x1x1xf32>
    %get3A_130 = vector.extract %get3A_129[0, 0, 0] : f32 from vector<1x1x1xf32>
    %mul3A_131 = vector.broadcast %get3A_90 : f32 to vector<1024x1xf32>
    %mul3A_132 = arith.mulf %div3A_81, %mul3A_131 : vector<1024x1xf32>
    %mul3A_133 = vector.broadcast %get3A_95 : f32 to vector<1024x1xf32>
    %mul3A_134 = arith.mulf %div3A_85, %mul3A_133 : vector<1024x1xf32>
    %add3A_135 = arith.addf %mul3A_132, %mul3A_134 : vector<1024x1xf32>
    %add3A_136 = vector.broadcast %get3A_100 : f32 to vector<1024x1xf32>
    %add3A_137 = arith.addf %add3A_135, %add3A_136 : vector<1024x1xf32>
    %mul3A_138 = vector.broadcast %get3A_105 : f32 to vector<1024x1xf32>
    %mul3A_139 = arith.mulf %div3A_81, %mul3A_138 : vector<1024x1xf32>
    %mul3A_140 = vector.broadcast %get3A_110 : f32 to vector<1024x1xf32>
    %mul3A_141 = arith.mulf %div3A_85, %mul3A_140 : vector<1024x1xf32>
    %add3A_142 = arith.addf %mul3A_139, %mul3A_141 : vector<1024x1xf32>
    %add3A_143 = vector.broadcast %get3A_115 : f32 to vector<1024x1xf32>
    %add3A_144 = arith.addf %add3A_142, %add3A_143 : vector<1024x1xf32>
    %mul3A_145 = vector.broadcast %get3A_120 : f32 to vector<1024x1xf32>
    %mul3A_146 = arith.mulf %div3A_81, %mul3A_145 : vector<1024x1xf32>
    %mul3A_147 = vector.broadcast %get3A_125 : f32 to vector<1024x1xf32>
    %mul3A_148 = arith.mulf %div3A_85, %mul3A_147 : vector<1024x1xf32>
    %add3A_149 = arith.addf %mul3A_146, %mul3A_148 : vector<1024x1xf32>
    %add3A_150 = vector.broadcast %get3A_130 : f32 to vector<1024x1xf32>
    %add3A_151 = arith.addf %add3A_149, %add3A_150 : vector<1024x1xf32>
    %mul3A_152 = arith.mulf %add3A_137, %add3A_137 : vector<1024x1xf32>
    %mul3A_153 = arith.mulf %add3A_144, %add3A_144 : vector<1024x1xf32>
    %add3A_154 = arith.addf %mul3A_152, %mul3A_153 : vector<1024x1xf32>
    %mul3A_155 = arith.mulf %add3A_151, %add3A_151 : vector<1024x1xf32>
    %add3A_156 = arith.addf %add3A_154, %mul3A_155 : vector<1024x1xf32>
    %rsqrt3A = math.rsqrt %add3A_156 : vector<1024x1xf32>
    %get3A_157 = arith.constant 0 : index
    %get3A_158 = arith.constant 0 : index
    %get3A_159 = arith.constant 0 : index
    %get3A_160 = vector.load %arg3[%get3A_157, %get3A_158, %get3A_159] : memref<1x1x8xf32, #tpu.memory_space<vmem>>, vector<1x1x1xf32>
    %get3A_161 = vector.extract %get3A_160[0, 0, 0] : f32 from vector<1x1x1xf32>
    %get3A_162 = arith.constant 0 : index
    %get3A_163 = arith.constant 0 : index
    %get3A_164 = arith.constant 1 : index
    %get3A_165 = vector.load %arg3[%get3A_162, %get3A_163, %get3A_164] : memref<1x1x8xf32, #tpu.memory_space<vmem>>, vector<1x1x1xf32>
    %get3A_166 = vector.extract %get3A_165[0, 0, 0] : f32 from vector<1x1x1xf32>
    %get3A_167 = arith.constant 0 : index
    %get3A_168 = arith.constant 0 : index
    %get3A_169 = arith.constant 2 : index
    %get3A_170 = vector.load %arg3[%get3A_167, %get3A_168, %get3A_169] : memref<1x1x8xf32, #tpu.memory_space<vmem>>, vector<1x1x1xf32>
    %get3A_171 = vector.extract %get3A_170[0, 0, 0] : f32 from vector<1x1x1xf32>
    %mul3A_172 = arith.mulf %get3A_161, %get3A_90 : f32
    %mul3A_173 = arith.mulf %get3A_166, %get3A_95 : f32
    %add3A_174 = arith.addf %mul3A_172, %mul3A_173 : f32
    %mul3A_175 = arith.mulf %get3A_171, %get3A_100 : f32
    %add3A_176 = arith.addf %add3A_174, %mul3A_175 : f32
    %neg3A = arith.constant 0.000000e+00 : f32
    %neg3A_177 = arith.subf %neg3A, %add3A_176 : f32
    %mul3A_178 = arith.mulf %get3A_161, %get3A_105 : f32
    %mul3A_179 = arith.mulf %get3A_166, %get3A_110 : f32
    %add3A_180 = arith.addf %mul3A_178, %mul3A_179 : f32
    %mul3A_181 = arith.mulf %get3A_171, %get3A_115 : f32
    %add3A_182 = arith.addf %add3A_180, %mul3A_181 : f32
    %neg3A_183 = arith.constant 0.000000e+00 : f32
    %neg3A_184 = arith.subf %neg3A_183, %add3A_182 : f32
    %mul3A_185 = arith.mulf %get3A_161, %get3A_120 : f32
    %mul3A_186 = arith.mulf %get3A_166, %get3A_125 : f32
    %add3A_187 = arith.addf %mul3A_185, %mul3A_186 : f32
    %mul3A_188 = arith.mulf %get3A_171, %get3A_130 : f32
    %add3A_189 = arith.addf %add3A_187, %mul3A_188 : f32
    %neg3A_190 = arith.constant 0.000000e+00 : f32
    %neg3A_191 = arith.subf %neg3A_190, %add3A_189 : f32
    %broadcast_in_dim3A = arith.constant 1.000000e+00 : f32
    %broadcast_in_dim3A_192 = vector.broadcast %broadcast_in_dim3A : f32 to vector<1024x1xf32>
    %iota3A = tpu.iota {dimensions = array<i32: 1>} : vector<1024x64xi32>
    %convert_element_type3A_193 = arith.sitofp %iota3A : vector<1024x64xi32> to vector<1024x64xf32>
    %mul3A_194 = arith.constant 0.157142863 : f32
    %mul3A_195 = vector.broadcast %mul3A_194 : f32 to vector<1024x64xf32>
    %mul3A_196 = arith.mulf %convert_element_type3A_193, %mul3A_195 : vector<1024x64xf32>
    %add3A_197 = arith.constant 1.000000e-01 : f32
    %add3A_198 = vector.broadcast %add3A_197 : f32 to vector<1024x64xf32>
    %add3A_199 = arith.addf %add3A_198, %mul3A_196 : vector<1024x64xf32>
    %mul3A_200 = vector.broadcast %neg3A_177 : f32 to vector<1024x1xf32>
    %mul3A_201 = arith.mulf %mul3A_200, %broadcast_in_dim3A_192 : vector<1024x1xf32>
    %mul3A_202 = vector.broadcast %neg3A_184 : f32 to vector<1024x1xf32>
    %mul3A_203 = arith.mulf %mul3A_202, %broadcast_in_dim3A_192 : vector<1024x1xf32>
    %mul3A_204 = vector.broadcast %neg3A_191 : f32 to vector<1024x1xf32>
    %mul3A_205 = arith.mulf %mul3A_204, %broadcast_in_dim3A_192 : vector<1024x1xf32>
    %mul3A_206 = arith.mulf %add3A_137, %rsqrt3A : vector<1024x1xf32>
    %mul3A_207 = arith.mulf %add3A_144, %rsqrt3A : vector<1024x1xf32>
    %mul3A_208 = arith.mulf %add3A_151, %rsqrt3A : vector<1024x1xf32>
    %concatenate3A = tpu.concatenate %mul3A_201, %mul3A_203, %mul3A_205, %mul3A_206, %mul3A_207, %mul3A_208, %add3A_199, %add3A_51, %add3A_57 in 1 : vector<1024x1xf32>, vector<1024x1xf32>, vector<1024x1xf32>, vector<1024x1xf32>, vector<1024x1xf32>, vector<1024x1xf32>, vector<1024x64xf32>, vector<1024x1xf32>, vector<1024x1xf32> -> vector<1024x72xf32>
    %swap3A = arith.constant 0 : index
    %swap3A_209 = arith.constant 0 : index
    %swap3A_210 = arith.constant 0 : index
    %swap3A_211 = vector.load %arg4[%swap3A, %swap3A_209, %swap3A_210] : memref<1x1024x72xf32, #tpu.memory_space<vmem>>, vector<1x1024x72xf32>
    %swap3A_212 = vector.shape_cast %swap3A_211 : vector<1x1024x72xf32> to vector<1024x72xf32>
    %swap3A_213 = vector.shape_cast %concatenate3A : vector<1024x72xf32> to vector<1x1024x72xf32>
    tpu.vector_store %arg4[%swap3A, %swap3A_209, %swap3A_210], %swap3A_213 {strides = array<i32>} : memref<1x1024x72xf32, #tpu.memory_space<vmem>>, vector<1x1024x72xf32>,
    return
  }
  func.func @transform_0(%arg0: i32) -> (i32, i32, i32) {
    %c0_i32 = arith.constant 0 : i32
    %c0_i32_0 = arith.constant 0 : i32
    %c0_i32_1 = arith.constant 0 : i32
    return %arg0, %c0_i32, %c0_i32_0 : i32, i32, i32
  }
  func.func @transform_1(%arg0: i32) -> (i32, i32, i32) {
    %c0_i32 = arith.constant 0 : i32
    %c0_i32_0 = arith.constant 0 : i32
    %c0_i32_1 = arith.constant 0 : i32
    return %arg0, %c0_i32, %c0_i32_0 : i32, i32, i32
  }
  func.func @transform_2(%arg0: i32) -> (i32, i32, i32) {
    %c0_i32 = arith.constant 0 : i32
    %c0_i32_0 = arith.constant 0 : i32
    %c0_i32_1 = arith.constant 0 : i32
    return %arg0, %c0_i32, %c0_i32_0 : i32, i32, i32
  }
  func.func @transform_3(%arg0: i32) -> (i32, i32, i32) {
    %c0_i32 = arith.constant 0 : i32
    %c0_i32_0 = arith.constant 0 : i32
    %c0_i32_1 = arith.constant 0 : i32
    return %arg0, %c0_i32, %c0_i32_0 : i32, i32, i32
  }
}

</mosaic_0001>

<sc_bundles>
// kernel: kernel.5.cloned.1.call-start
scs
__scs_entry_jumppad:
0x0: {  	(pc) =	sbr.rel $0x88, $3  }
0x1: {  	(tag) =	ssettag $0x0;
	lr =	simm.s32 $0x1  }
0x2: {  	[smem:$0x3F9C] =	sst lr;
	_ =	strace $0xD0000000  }
0x3: {  	_ = 	snop  }
0x4: {  	_ = 	snop  }
0x5: {  	_ = 	snop  }
0x6: {  	_ = 	snop  }
0x7: {  	_ = 	snop  }
__scs_overlays_trampoline_lowered:
0x8: {  	[smem:$0x3FAB] =	sst s0  }
0x9: {  	[smem:$0x3FAC] =	sst s1  }
0xa: {  	[smem:$0x3FAD] =	sst s2  }
0xb: {  	[smem:$0x3FAE] =	sst s3  }
0xc: {  	[smem:$0x3FAF] =	sst s4  }
0xd: {  	[smem:$0x3FB0] =	sst s5  }
0xe: {  	[smem:$0x3FB1] =	sst s6  }
0xf: {  	[smem:$0x3FB2] =	sst s7  }
0x10: {  	[smem:$0x3FB3] =	sst s8  }
0x11: {  	[smem:$0x3FB4] =	sst s9;
	s0 =	simm.s32 @!p0 $0x0  }
0x12: {  	s1 =	sld [smem:$0x3F9A];
	s0 =	simm.s32 @p0 $0x1  }
0x13: {  	[smem:$0x3FB5] =	sst s0;
	s0 =	simm.s32 @!p1 $0x0  }
0x14: {  	s2 =	sld [smem:$0x3F99];
	s0 =	simm.s32 @p1 $0x1  }
0x15: {  	[smem:$0x3FB6] =	sst s0;
	s0 =	simm.s32 @!p2 $0x0  }
0x16: {  	s3 =	sld [smem:$0x3FDB];
	s0 =	simm.s32 @p2 $0x1  }
0x17: {  	s4 =	simm.s32 $0x1BF5;
	[smem:$0x3FB8] =	sst s0  }
0x18: {  	s0 =	sld [smem:$0x3F9B];
	_ =	swait.ge [sflag:s4], $0x0  }
0x19: {  	s7 =	sld [smem:$0x3F9C]  }
0x1a: {  	s8 =	sadd.s32 $0xFFFFE003, lr  }
0x1b: {  	s9 =	sadd.s32 $0xFFFFFEF7, lr;
	s5 =	simm.s32 $0xFFFFFFFF;
	p2 =	slt.u32 s8, $0xFFFFF086  }
0x1c: {  	p1 =	slt.u32 s9, $0xF7A;
	s5 =	simm.s32 @!p2 $0x0  }
0x1d: {  	s5 =	simm.s32 @p1 $0x1;
	p0 =	seq.s32 s7, s2  }
0x1e: {  	s7 =	smul.u32 @!p0 $0xF7A, s2;
	p2 =	seq.s32 @!p0 s5, $0x0  }
0x1f: {  	s9 =	smul.u32 $0xF7A, s1;
	s8 =	simm.s32 @!p0 $0x1BF5;
	p2 =	por !p2, p0  }
0x20: {  	[sflag:s8] =	ssyncset.s32 @!p0 $0xFFFFF086;
	s6 =	sadd.s32 @!p0 s3, s7;
	s7 =	simm.s32 @!p0 $0x108  }
0x21: {  	s3 =	sadd.s32 s3, s9;
	s6 =	sadd.s32 @!p0 $0x88, s6;
	s7 =	simm.s32 @p2 $0x1082  }
0x22: {  	[simem:s7], [sflag:s8] =	dma.local @!p0 [hbm:s6], $0xF7A  }
0x23: {  	s9 =	sor.u32 $0xD0000000, s2;
	s6 =	simm.s32 $0x108;
	_ =	swait.ge @!p0 [sflag:s8], $0x0  }
0x24: {  	s3 =	sadd.s32 $0x88, s3;
	s6 =	simm.s32 @!p1 $0x1082;
	[sflag:s4] =	ssyncset.s32 $0xFFFFF086  }
0x25: {  	[simem:s6], [sflag:s4] =	dma.local [hbm:s3], $0xF7A  }
0x26: {  	[smem:$0x3F9C] =	sst s1;
	(tag) =	ssettag s2;
	_ =	strace s9  }
0x27: {  	s1 =	sld [smem:$0x3FAC]  }
0x28: {  	s2 =	sld [smem:$0x3FAD]  }
0x29: {  	s4 =	sld [smem:$0x3FAF]  }
0x2a: {  	p0 =	seq.s32 s5, $0x0;
	s5 =	sld [smem:$0x3FB0]  }
0x2b: {  	s6 =	sld [smem:$0x3FB1]  }
0x2c: {  	s7 =	sld [smem:$0x3FB2]  }
0x2d: {  	s3 =	simm.s32 $0x108;
	s8 =	sld [smem:$0x3FB3]  }
0x2e: {  	s3 =	simm.s32 @!p0 $0x1082;
	s9 =	sld [smem:$0x3FB4]  }
0x2f: {  	lr =	sadd.s32 s0, s3;
	s0 =	sld [smem:$0x3FAB]  }
0x30: {  	s3 =	sld [smem:$0x3FAE]  }
0x31: {  	[smem:$0x3FB7] =	sst s10  }
0x32: {  	s10 =	sld [smem:$0x3FB5];
	_ =	sdelay $0x3  }
0x33: {  	p0 =	seq.s32 s10, $0x1;
	s10 =	sld [smem:$0x3FB7];
	_ =	sdelay $0x3  }
0x34: {  	[smem:$0x3FB7] =	sst s10  }
0x35: {  	s10 =	sld [smem:$0x3FB6];
	_ =	sdelay $0x3  }
0x36: {  	p1 =	seq.s32 s10, $0x1;
	s10 =	sld [smem:$0x3FB7];
	_ =	sdelay $0x3  }
0x37: {  	[smem:$0x3FB7] =	sst s10  }
0x38: {  	s10 =	sld [smem:$0x3FB8]  }
0x39: {  	_ = 	snop;
	(pc) =	sbr.ind lr, $3  }
0x3a: {  	_ = 	snop  }
0x3b: {  	_ = 	snop  }
0x3c: {  	p2 =	seq.s32 s10, $0x1;
	s10 =	sld [smem:$0x3FB7]  }
0x3d: {  	_ =	shalt  }
0x3e: {  	_ =	shalt  }
0x3f: {  	_ =	shalt  }
0x40: {  	_ =	shalt  }
0x41: {  	_ =	shalt  }
0x42: {  	_ =	shalt  }
0x43: {  	_ =	shalt  }
0x44: {  	_ =	shalt  }
0x45: {  	_ =	shalt  }
0x46: {  	_ =	shalt  }
0x47: {  	_ =	shalt  }
0x48: {  	_ =	shalt  }
0x49: {  	_ =	shalt  }
0x4a: {  	_ =	shalt  }
0x4b: {  	_ =	shalt  }
0x4c: {  	_ =	shalt  }
0x4d: {  	_ =	shalt  }
0x4e: {  	_ =	shalt  }
0x4f: {  	_ =	shalt  }
0x50: {  	_ =	shalt  }
0x51: {  	_ =	shalt  }
0x52: {  	_ =	shalt  }
0x53: {  	_ =	shalt  }
0x54: {  	_ =	shalt  }
0x55: {  	_ =	shalt  }
0x56: {  	_ =	shalt  }
0x57: {  	_ =	shalt  }
0x58: {  	_ =	shalt  }
0x59: {  	_ =	shalt  }
0x5a: {  	_ =	shalt  }
0x5b: {  	_ =	shalt  }
0x5c: {  	_ =	shalt  }
0x5d: {  	_ =	shalt  }
0x5e: {  	_ =	shalt  }
0x5f: {  	_ =	shalt  }
0x60: {  	_ =	shalt  }
0x61: {  	_ =	shalt  }
0x62: {  	_ =	shalt  }
0x63: {  	_ =	shalt  }
0x64: {  	_ =	shalt  }
0x65: {  	_ =	shalt  }
0x66: {  	_ =	shalt  }
0x67: {  	_ =	shalt  }
0x68: {  	_ =	shalt  }
0x69: {  	_ =	shalt  }
0x6a: {  	_ =	shalt  }
0x6b: {  	_ =	shalt  }
0x6c: {  	_ =	shalt  }
0x6d: {  	_ =	shalt  }
0x6e: {  	_ =	shalt  }
0x6f: {  	_ =	shalt  }
0x70: {  	_ =	shalt  }
0x71: {  	_ =	shalt  }
0x72: {  	_ =	shalt  }
0x73: {  	_ =	shalt  }
0x74: {  	_ =	shalt  }
0x75: {  	_ =	shalt  }
0x76: {  	_ =	shalt  }
0x77: {  	_ =	shalt  }
0x78: {  	_ =	shalt  }
0x79: {  	_ =	shalt  }
0x7a: {  	_ =	shalt  }
0x7b: {  	_ =	shalt  }
0x7c: {  	_ =	shalt  }
0x7d: {  	_ =	shalt  }
0x7e: {  	_ =	shalt  }
0x7f: {  	_ =	shalt  }
0x80: {  	_ =	shalt  }
0x81: {  	_ =	shalt  }
0x82: {  	_ =	shalt  }
0x83: {  	_ =	shalt  }
0x84: {  	_ =	shalt  }
0x85: {  	_ =	shalt  }
0x86: {  	_ =	shalt  }
0x87: {  	_ =	shalt  }
.Lfunc_end0:
.L_simem_size_0:
called_computation_lowered:
.L_overlay_start_0:
0x88: {  	s2 =	sld [smem:$0x3FD9]  }
0x89: {  	s3 =	sld [smem:$0x3FFE];
	_ =	sdelay $0x1  }
0x8a: {  	s1 =	srdreg.scid  }
0x8b: {  	s0 =	sand.u32 $0x1, s1  }
0x8c: {  	s17 =	sshll.u32 s0, $0xA;
	s2 =	sadd.s32 s3, s2  }
0x8d: {  	s2 =	sadd.s32 s2, s17  }
0x8e: {  	[smem:$0x3FC3] =	sst s2  }
0x8f: {  	_ = 	snop  }
0x90: {  	s2 =	sld [smem:$0x3FD0];
	(tm) =	ssettm $0x1  }
0x91: {  	s18 =	sld [smem:$0x3FFB];
	_ =	sdelay $0x3  }
0x92: {  	_ =	strace s18  }
0x93: {  	s3 =	sld [smem:$0x3FFC];
	_ =	sdelay $0x3  }
0x94: {  	_ =	strace s3  }
0x95: {  	s3 =	sld [smem:$0x3FFD];
	_ =	sdelay $0x3  }
0x96: {  	_ =	strace s3  }
0x97: {  	_ =	strace $0x8FFFFFFF  }
0x98: {  	s19 =	sld [smem:$0x3FDB];
	_ =	sdelay $0x1  }
0x99: {  	s4 =	simm.s32 $_scs_section_size  }
0x9a: {  	s5 =	simm.s32 $_size__tile_overlayer_lowered;
	s6 =	simm.s32 $_tile_overlayer_lowered  }
0x9b: {  	s22 =	simm.s32 $0x1BFF;
	s21 =	sshll.u32 s6, $0x1;
	s3 =	sadd.s32 s4, s19  }
0x9c: {  	s7 =	simm.s32 $0x0;
	s20 =	sshll.u32 s5, $0x1;
	s5 =	sadd.s32 s21, s3  }
0x9d: {  	[timem:s7], [sflag:s22] =	dma.local [hbm:s5], s20  }
0x9e: {  	_ =	swait.ge [sflag:s22], s20  }
0x9f: {  	s4 =	ssub.s32 $0x0, s20;
	[sflag:s22] =	ssyncset.done $0x0  }
0xa0: {  	[sflag:s22] =	ssyncadd.s32 s4;
	_ =	sdelay $0x1  }
0xa1: {  	s23 =	simm.s32 $0x1B8B  }
0xa2: {  	_ =	swait.ge [sflag:s23], $0x1  }
0xa3: {  	[sflag:s23] =	ssyncset.done $0x0  }
0xa4: {  	s25 =	simm.s32 $0x1B8E;
	s24 =	sld [smem:$0x3FFE];
	[sflag:s23] =	ssyncadd.s32 $0xFFFFFFFF  }
0xa5: {  	s26 =	simm.s32 $execute0_lowered;
	[smem:$0x3FD2] =	sst s25  }
0xa6: {  	s5 =	sshll.u32 s26, $0x1;
	_ =	strace $0x80000046;
	[dreg:$0x1] =	wrdreg $0xFFFFFFFF  }
0xa7: {  	s28 =	simm.s32 $_size_execute0_lowered;
	s3 =	sadd.s32 s3, s5;
	[dreg:$0x0] =	wrdreg $0x0  }
0xa8: {  	s5 =	sshll.u32 s28, $0x1;
	[dreg:$0x2] =	wrdreg s3  }
0xa9: {  	[dreg:$0x3] =	wrdreg s5  }
0xaa: {  	[dreg:$0x4] =	wrdreg $0xC0  }
0xab: {  	_ =	task [dreg:s7], $0x5FFFF  }
0xac: {  	[dreg:$0x1] =	wrdreg $0xFFFFFFFF  }
0xad: {  	[dreg:$0x0] =	wrdreg $0x60  }
0xae: {  	[dreg:$0x2] =	wrdreg s24  }
0xaf: {  	[dreg:$0x3] =	wrdreg s2  }
0xb0: {  	[dreg:$0x4] =	wrdreg $0x9  }
0xb1: {  	_ =	task.clear_ibuf [dreg:s7], $0x5FFFF;
	_ =	strace $0x90000046  }
0xb2: {  	s29 =	simm.s32 $0x9;
	_ =	strace $0x80000048  }
0xb3: {  	_ =	swait.ge [sflag:s29], $0x1  }
0xb4: {  	[sflag:s29] =	ssyncadd.s32 $0xFFFFFFFF  }
0xb5: {  	_ =	strace $0x90000048  }
0xb6: {  	_ =	sfence  }
0xb7: {  	s30 =	sld [smem:$0x0];
	_ =	sdelay $0x2  }
0xb8: {  	s31 =	sshll.u32 s1, $0xD;
	s1 =	sshrl.u32 s1, $0x2  }
0xb9: {  	s3 =	sand.u32 $0x4000, s31;
	s1 =	sadd.s32 s1, s30  }
0xba: {  	s0 =	sor.u32 s3, s0;
	s1 =	sshll.u32 s1, $0x11  }
0xbb: {  	s0 =	sor.u32 s1, s0  }
0xbc: {  	s0 =	sadd.s32 $0x8F2B, s0  }
0xbd: {  	[sflag:s0] =	ssyncadd.remote.s32 $0x1  }
0xbe: {  	_ =	sfence.sel $0xFFFF  }
0xbf: {  	[dreg:$0x0] =	wrdreg $0xFFFFFFFF;
	(pc) =	sbr.abs _section_cstart, $3  }
0xc0: {  	[dreg:$0x1] =	wrdreg $0xFFFFFFFF  }
0xc1: {  	_ =	task.clear_ibuf [dreg:s7], $0x2FFFF;
	_ =	strace $0x9FFFFFFF  }
0xc2: {  	(tm) =	ssettm $0x7FFFFFFF  }
0xc3: {  	_ =	shalt  }
tec
execute0_lowered:
.L_overlay_start_1:
0x0: {  	(tag) =	ssettag $0x1  }
0x1: {  	s4 =	rddreg [dreg:$0x0]  }
0x2: {  	s5 =	rddreg [dreg:$0x1];
	s2 =	simm.s32 $0x0  }
0x3: {  	s1 =	stileid.u32;
	s6 =	srdreg.scid;
	s11 =	simm.s32 $0x80  }
0x4: {  	s12 =	simm.s32 $0x2C30;
	s13 =	simm.s32 $0x2E30;
	s14 =	simm.s32 $0x2CB0  }
0x5: {  	s15 =	simm.s32 $0x3E30;
	s16 =	simm.s32 $0x2D30;
	s18 =	simm.s32 $0x2DB0  }
0x6: {  	s19 =	simm.s32 $0x5E30;
	s20 =	simm.s32 $0x1;
	s21 =	simm.s32 $0x7630  }
0x7: {  	s22 =	simm.s32 $0x0;
	[smem:$0x7FF] =	sst s2;
	s3 =	smul.u32 $0x32, s1  }
0x8: {  	s6 =	sand.u32 $0x1, s6;
	s30 =	sshll.u32 s1, $0x7;
	s9 =	smul.u32 $0x514, s1  }
0x9: {  	s17 =	smul.u32 $0x4E20, s1;
	_ =	strace $0x80000047;
	s8 =	sshll.u32 s6, $0x6  }
0xa: {  	s6 =	ssub.s32 $0x2, s6;
	s7 =	sadd.s32 s3, s4;
	s8 =	sor.u32 s8, s30  }
0xb: {  	s3 =	sadd.s32 $0x145A00, s4;
	s31 =	sshrl.u32 s6, $0x1;
	s5 =	sadd.s32 s5, s9  }
0xc: {  	v2 =	vimm.s32 $0xFF;
	s9 =	simm.s32 $0x2;
	v0 =	vmov s17;
	s17 =	simm.s32 $0x4E30;
	s8 =	sadd.s32 s8, s4  }
0xd: {  	v4 =	vlaneseq.u32;
	s10 =	ssub.s32 s6, s31;
	s4 =	sadd.s32 $0xA00, s7;
	s6 =	sadd.s32 $0xE00, s8  }
0xe: {  	v1 =	vimm.s32 $0x18F;
	v3 =	vimm.s32 $0x0;
	v4 =	vmul.u32 $0x20, v4;
	s7 =	sadd.s32 $0x1600, s8;
	s8 =	smax.u32 s10, $0x1;
	s10 =	simm.s32 $0x190  }
.LBB2_1:
0xf: {  	[tilespmem:s2], [sflag:$0x2] =	stream.linear.gather [hbm4b:s4+s2], $0x190, $0x38;
	[tilespmem:$0x7830] =	vst v63  }
0x10: {  	_ =	swait.ge [sflag:s9], $0x190  }
0x11: {  	[sflag:s9] =	ssyncset.done $0x0  }
0x12: {  	[sflag:s9] =	ssyncadd.s32 $0xFFFFFE70  }
0x13: {  	[tilespmem:s10], [sflag:$0x2] =	stream.linear.gather [hbm4b:s5+s2], $0x28A0, $0x38;
	[tilespmem:$0x7830] =	vst v63  }
0x14: {  	_ =	swait.ge [sflag:s9], $0x28A0  }
0x15: {  	[sflag:s9] =	ssyncset.done $0x0  }
0x16: {  	s23 =	simm.s32 $0x2A30;
	[sflag:s9] =	ssyncadd.s32 $0xFFFFD760  }
0x17: {  	[tilespmem:s23], [sflag:$0x2] =	stream.linear.gather [hbm4b:s6+s2], $0x200, $0x38;
	[tilespmem:$0x7830] =	vst v63  }
0x18: {  	_ =	swait.ge [sflag:s9], $0x200  }
0x19: {  	[sflag:s9] =	ssyncset.done $0x0  }
0x1a: {  	s24 =	simm.s32 $0x6E30;
	s25 =	simm.s32 $0x7030;
	[sflag:s9] =	ssyncadd.s32 $0xFFFFFE00  }
0x1b: {  	s26 =	simm.s32 $0x7230;
	s28 =	simm.s32 $0x7430;
	s29 =	simm.s32 $0x0;
	v5 =	vld.idx.msk [tilespmem:v1+s2+$0x0], $0xffff  }
.LBB2_2:
0x1c: {  	v6 =	vld [tilespmem:s23+$0x0];
	_ =	sdelay $0x1  }
0x1d: {  	v7 =	vld.idx.msk [tilespmem:v2+s2+$0x0], $0xffff;
	_ =	sdelay $0x2  }
0x1e: {  	v6 =	vmul.f32 v6, v5;
	_ =	sdelay $0x1  }
0x1f: {  	vm0 =	vlt.f32 v7, v6  }
0x20: {  	v7 =	vsel vm0, $0x100, v3  }
0x21: {  	v8 =	vor.u32 $0x7F, v7;
	_ =	sdelay $0x4  }
0x22: {  	v8 =	vld.idx.msk [tilespmem:v8+s2+$0x0], $0xffff;
	_ =	sdelay $0x4  }
0x23: {  	vm7 =	vlt.f32 v8, v6  }
0x24: {  	v8 =	vsel vm7, $0x80, v3  }
0x25: {  	v7 =	vor.u32 v7, v8  }
0x26: {  	v8 =	vor.u32 $0x3F, v7  }
0x27: {  	v9 =	vmin.u32 v8, $0x18F;
	_ =	sdelay $0x4  }
0x28: {  	v9 =	vld.idx.msk [tilespmem:v9+s2+$0x0], $0xffff;
	_ =	sdelay $0x4  }
0x29: {  	vm8 =	vlt.u32 v8, $0x190;
	vm1 =	vlt.f32 v9, v6  }
0x2a: {  	vm0 =	vmand vm1, vm8  }
0x2b: {  	v47 =	vsel vm0, $0x40, v3  }
0x2c: {  	v7 =	vor.u32 v7, v47  }
0x2d: {  	v8 =	vor.u32 $0x1F, v7  }
0x2e: {  	v48 =	vmin.u32 v8, $0x18F;
	_ =	sdelay $0x4  }
0x2f: {  	v9 =	vld.idx.msk [tilespmem:v48+s2+$0x0], $0xffff;
	_ =	sdelay $0x4  }
0x30: {  	vm9 =	vlt.u32 v8, $0x190;
	vm10 =	vlt.f32 v9, v6  }
0x31: {  	vm0 =	vmand vm10, vm9  }
0x32: {  	v49 =	vsel vm0, $0x20, v3  }
0x33: {  	v7 =	vor.u32 v7, v49  }
0x34: {  	v8 =	vor.u32 $0xF, v7  }
0x35: {  	v8 =	vmin.u32 v8, $0x18F;
	_ =	sdelay $0x4  }
0x36: {  	v8 =	vld.idx.msk [tilespmem:v8+s2+$0x0], $0xffff;
	_ =	sdelay $0x4  }
0x37: {  	vm11 =	vlt.u32 v7, $0x190;
	vm12 =	vlt.f32 v8, v6  }
0x38: {  	vm0 =	vmand vm12, vm11  }
0x39: {  	v50 =	vsel vm0, $0x10, v3  }
0x3a: {  	v7 =	vor.u32 v7, v50  }
0x3b: {  	v8 =	vor.u32 $0x7, v7  }
0x3c: {  	v8 =	vmin.u32 v8, $0x18F;
	_ =	sdelay $0x4  }
0x3d: {  	v8 =	vld.idx.msk [tilespmem:v8+s2+$0x0], $0xffff;
	_ =	sdelay $0x4  }
0x3e: {  	vm13 =	vlt.u32 v7, $0x190;
	vm14 =	vlt.f32 v8, v6  }
0x3f: {  	vm1 =	vmand vm14, vm13  }
0x40: {  	v51 =	vsel vm1, $0x8, v3  }
0x41: {  	v7 =	vor.u32 v7, v51  }
0x42: {  	v8 =	vor.u32 $0x3, v7  }
0x43: {  	v8 =	vmin.u32 v8, $0x18F;
	_ =	sdelay $0x4  }
0x44: {  	v8 =	vld.idx.msk [tilespmem:v8+s2+$0x0], $0xffff;
	_ =	sdelay $0x4  }
0x45: {  	vm15 =	vlt.f32 v8, v6  }
0x46: {  	vm0 =	vmand vm15, vm13  }
0x47: {  	v52 =	vsel vm0, $0x4, v3  }
0x48: {  	v7 =	vor.u32 v52, v7  }
0x49: {  	v8 =	vmin.u32 v7, $0x18E  }
0x4a: {  	v8 =	vadd.s32 $0x1, v8;
	_ =	sdelay $0x4  }
0x4b: {  	v8 =	vld.idx.msk [tilespmem:v8+s2+$0x0], $0xffff;
	_ =	sdelay $0x4  }
0x4c: {  	vm4 =	vlt.u32 v7, $0x18F;
	vm5 =	vlt.f32 v8, v6  }
0x4d: {  	vm0 =	vmand vm5, vm4  }
0x4e: {  	v53 =	vsel vm0, $0x2, v3  }
0x4f: {  	v7 =	vadd.s32 v7, v53  }
0x50: {  	v8 =	vmin.u32 v7, $0x18F;
	_ =	sdelay $0x4  }
0x51: {  	v8 =	vld.idx.msk [tilespmem:v8+s2+$0x0], $0xffff;
	_ =	sdelay $0x4  }
0x52: {  	vm6 =	vlt.u32 v7, $0x190;
	vm7 =	vlt.f32 v8, v6  }
0x53: {  	vm0 =	vmand vm7, vm6  }
0x54: {  	v54 =	vsel vm0, $0x1, v3  }
0x55: {  	v7 =	vadd.s32 v54, v7  }
0x56: {  	v7 =	vmin.u32 v7, $0x18F  }
0x57: {  	v55 =	vmul.u32 $0x1A, v7;
	_ =	sdelay $0x1  }
0x58: {  	v56 =	vadd.s32 $0x10, v55;
	_ =	sdelay $0x4  }
0x59: {  	v9 =	vld.idx.msk [tilespmem:v56+s10+$0x0], $0xffff;
	_ =	sdelay $0x4  }
0x5a: {  	vm8 =	vlt.f32 v9, v6  }
0x5b: {  	v57 =	vor.u32 $0x1, v55;
	v10 =	vsel vm8, $0x10, v3  }
0x5c: {  	v11 =	vadd.s32 v10, v57  }
0x5d: {  	v11 =	vadd.s32 $0x7, v11;
	_ =	sdelay $0x4  }
0x5e: {  	v11 =	vld.idx.msk [tilespmem:v11+s10+$0x0], $0xffff;
	_ =	sdelay $0x4  }
0x5f: {  	vm9 =	vlt.f32 v11, v6  }
0x60: {  	v11 =	vsel vm9, $0x8, v3  }
0x61: {  	v10 =	vor.u32 v10, v11  }
0x62: {  	v11 =	vor.u32 $0x3, v10  }
0x63: {  	v12 =	vmin.u32 v11, $0x18  }
0x64: {  	v12 =	vadd.s32 v12, v57;
	_ =	sdelay $0x4  }
0x65: {  	v12 =	vld.idx.msk [tilespmem:v12+s10+$0x0], $0xffff;
	_ =	sdelay $0x4  }
0x66: {  	vm10 =	vlt.u32 v11, $0x19;
	vm11 =	vlt.f32 v12, v6  }
0x67: {  	vm0 =	vmand vm11, vm10  }
0x68: {  	v58 =	vsel vm0, $0x4, v3  }
0x69: {  	v10 =	vor.u32 v10, v58  }
0x6a: {  	v11 =	vor.u32 $0x1, v10  }
0x6b: {  	v59 =	vmin.u32 v11, $0x18  }
0x6c: {  	v12 =	vadd.s32 v59, v57;
	_ =	sdelay $0x4  }
0x6d: {  	v12 =	vld.idx.msk [tilespmem:v12+s10+$0x0], $0xffff;
	_ =	sdelay $0x4  }
0x6e: {  	vm12 =	vlt.u32 v11, $0x19;
	vm13 =	vlt.f32 v12, v6  }
0x6f: {  	vm0 =	vmand vm13, vm12  }
0x70: {  	v60 =	vsel vm0, $0x2, v3  }
0x71: {  	v10 =	vor.u32 v10, v60  }
0x72: {  	v11 =	vmin.u32 v10, $0x18  }
0x73: {  	v9 =	vadd.s32 v11, v57;
	_ =	sdelay $0x4  }
0x74: {  	v9 =	vld.idx.msk [tilespmem:v9+s10+$0x0], $0xffff;
	_ =	sdelay $0x4  }
0x75: {  	vm14 =	vlt.u32 v10, $0x19;
	vm15 =	vlt.f32 v9, v6  }
0x76: {  	vm0 =	vmand vm15, vm14  }
0x77: {  	v61 =	vsel vm0, $0x1, v3  }
0x78: {  	v9 =	vor.u32 v61, v10  }
0x79: {  	v9 =	vmin.u32 v9, $0x18  }
0x7a: {  	v8 =	vadd.s32 v9, v55;
	_ =	sdelay $0x4  }
0x7b: {  	v8 =	vld.idx.msk [tilespmem:v8+s10+$0x0], $0xffff;
	_ =	sdelay $0x1  }
0x7c: {  	p0 =	sne.s32 s29, $0x1F0  }
.Ltmp0:
0x7d: {  	v62 =	vshll.u32 v9, $0x4;
	[tilespmem:s24+$0x0] =	vst v7;
	(pc) =	sbr.rel @p0 .LBB2_2-.Ltmp0, $4  }
0x7e: {  	v7 =	vmul.u32 $0x32, v7;
	[tilespmem:s25+$0x0] =	vst v62  }
0x7f: {  	s30 =	sand.u32 $0x1F0, s29;
	v63 =	vor.u32 v0, v9;
	[tilespmem:s26+$0x0] =	vst v8  }
0x80: {  	s23 =	sadd.s32 $0x10, s23;
	s29 =	sadd.s32 $0x10, s29;
	s24 =	sadd.s32 $0x10, s24;
	[tilespmem:s28+$0x0] =	vst v6;
	v6 =	vadd.s32 v7, v63  }
0x81: {  	s25 =	sadd.s32 $0x10, s25;
	s26 =	sadd.s32 $0x10, s26;
	s28 =	sadd.s32 $0x10, s28;
	[tilespmem:s30+$0x2C30] =	vst v6  }
0x82: {  	[tilespmem:s13], [sflag:$0x1] =	stream.indirect.gather [hbm4b:s3+s11], $0x20, s12, s11, $0xb8;
	[tilespmem:$0x7830] =	vst v63  }
0x83: {  	_ = 	snop  }
0x84: {  	[tilespmem:s15], [sflag:$0x1] =	stream.indirect.gather [hbm4b:s3+s11], $0x20, s14, s11, $0xb8;
	[tilespmem:$0x7830] =	vst v63  }
0x85: {  	_ = 	snop  }
0x86: {  	[tilespmem:s17], [sflag:$0x1] =	stream.indirect.gather [hbm4b:s3+s11], $0x20, s16, s11, $0xb8;
	[tilespmem:$0x7830] =	vst v63  }
0x87: {  	_ = 	snop  }
0x88: {  	[tilespmem:s19], [sflag:$0x1] =	stream.indirect.gather [hbm4b:s3+s11], $0x20, s18, s11, $0xb8;
	[tilespmem:$0x7830] =	vst v63  }
0x89: {  	_ =	swait.ge [sflag:s20], $0x1000  }
0x8a: {  	[sflag:s20] =	ssyncset.done $0x0  }
0x8b: {  	s23 =	simm.s32 $0x0;
	[sflag:s20] =	ssyncadd.s32 $0xFFFFF000  }
0x8c: {  	s23 =	sand.u32 $0x70, s23;
	_ =	swait.ge [sflag:s20], $0x1000  }
0x8d: {  	v5 =	vmov s23;
	[sflag:s20] =	ssyncset.done $0x0  }
0x8e: {  	s24 =	simm.s32 $0x0;
	v5 =	vshll.u32 v5, $0x5;
	[sflag:s20] =	ssyncadd.s32 $0xFFFFF000  }
0x8f: {  	s23 =	sand.u32 $0xFFFFF000, s24;
	v5 =	vor.u32 v4, v5;
	_ =	swait.ge [sflag:s20], $0x1000  }
0x90: {  	v5 =	vor.u32 s23, v5;
	[sflag:s20] =	ssyncset.done $0x0  }
0x91: {  	[sflag:s20] =	ssyncadd.s32 $0xFFFFF000  }
0x92: {  	v6 =	vor.u32 $0x2, v5;
	_ =	swait.ge [sflag:s20], $0x1000  }
0x93: {  	v7 =	vor.u32 $0x4, v5;
	[sflag:s20] =	ssyncset.done $0x0  }
0x94: {  	[sflag:s20] =	ssyncadd.s32 $0xFFFFF000  }
0x95: {  	v9 =	vor.u32 $0x6, v5;
	v8 =	vld.idx.msk [tilespmem:v5+s13+$0x0], $0xffff;
	_ =	sdelay $0x1  }
0x96: {  	v6 =	vld.idx.msk [tilespmem:v6+s13+$0x0], $0xffff  }
0x97: {  	s25 =	simm.s32 $0x7230;
	v10 =	vor.u32 $0x8, v5;
	v7 =	vld.idx.msk [tilespmem:v7+s13+$0x0], $0xffff  }
0x98: {  	v12 =	vld [tilespmem:s25+$0x0]  }
0x99: {  	s26 =	simm.s32 $0x7430;
	v11 =	vor.u32 $0xA, v5;
	v9 =	vld.idx.msk [tilespmem:v9+s13+$0x0], $0xffff;
	v8 =	vadd.f32 $0.0e+00, v8  }
0x9a: {  	v14 =	vld [tilespmem:s26+$0x0]  }
0x9b: {  	v13 =	vor.u32 $0xC, v5;
	v6 =	vadd.f32 v6, v8  }
0x9c: {  	v10 =	vld.idx.msk [tilespmem:v10+s13+$0x0], $0xffff  }
0x9d: {  	v15 =	vor.u32 $0xE, v5;
	v8 =	vadd.f32 v8, v12;
	v7 =	vadd.f32 v7, v6  }
0x9e: {  	v17 =	vor.u32 $0x10, v5;
	v11 =	vld.idx.msk [tilespmem:v11+s13+$0x0], $0xffff  }
0x9f: {  	vm0 =	vlt.f32 v8, v14;
	v6 =	vadd.f32 v6, v12;
	v9 =	vadd.f32 v9, v7  }
0xa0: {  	s0 =	simm.s32 $0x7030;
	v18 =	vor.u32 $0x12, v5;
	v13 =	vld.idx.msk [tilespmem:v13+s13+$0x0], $0xffff;
	v56 =	vsel vm0, $0x1, v3  }
0xa1: {  	v16 =	vld [tilespmem:s0+$0x0];
	vm0 =	vlt.f32 v6, v14;
	v6 =	vadd.f32 v7, v12;
	v8 =	vadd.f32 v10, v9  }
0xa2: {  	v19 =	vor.u32 $0x14, v5;
	v57 =	vsel vm0, $0x1, v3;
	v10 =	vld.idx.msk [tilespmem:v15+s13+$0x0], $0xffff  }
0xa3: {  	vm0 =	vlt.f32 v6, v14;
	v6 =	vadd.f32 v9, v12;
	v7 =	vadd.f32 v11, v8  }
0xa4: {  	v20 =	vor.u32 $0x16, v5;
	v59 =	vsel vm0, $0x1, v3;
	v11 =	vld.idx.msk [tilespmem:v17+s13+$0x0], $0xffff  }
0xa5: {  	vm0 =	vlt.f32 v6, v14;
	v6 =	vadd.f32 v8, v12;
	v9 =	vadd.f32 v13, v7  }
0xa6: {  	v60 =	vor.u32 $0x18, v5;
	v58 =	vld.idx.msk [tilespmem:v18+s13+$0x0], $0xffff;
	v15 =	vadd.s32 v56, v16;
	v61 =	vsel vm0, $0x1, v3  }
0xa7: {  	vm0 =	vlt.f32 v6, v14;
	v6 =	vadd.f32 v7, v12;
	v8 =	vadd.f32 v10, v9  }
0xa8: {  	v62 =	vor.u32 $0x1A, v5;
	v15 =	vadd.s32 v57, v15;
	v63 =	vsel vm0, $0x1, v3;
	v10 =	vld.idx.msk [tilespmem:v19+s13+$0x0], $0xffff  }
0xa9: {  	vm0 =	vlt.f32 v6, v14;
	v6 =	vadd.f32 v9, v12;
	v7 =	vadd.f32 v11, v8  }
0xaa: {  	v24 =	vor.u32 $0x1C, v5;
	v15 =	vadd.s32 v59, v15;
	v26 =	vsel vm0, $0x1, v3;
	v11 =	vld.idx.msk [tilespmem:v20+s13+$0x0], $0xffff  }
0xab: {  	vm0 =	vlt.f32 v6, v14;
	v6 =	vadd.f32 v8, v12;
	v9 =	vadd.f32 v58, v7  }
0xac: {  	v25 =	vld.idx.msk [tilespmem:v60+s13+$0x0], $0xffff;
	v5 =	vor.u32 $0x1E, v5;
	v15 =	vadd.s32 v61, v15;
	v28 =	vsel vm0, $0x1, v3  }
0xad: {  	vm0 =	vlt.f32 v6, v14;
	v6 =	vadd.f32 v7, v12;
	v8 =	vadd.f32 v10, v9  }
0xae: {  	v15 =	vadd.s32 v63, v15;
	v29 =	vsel vm0, $0x1, v3;
	v10 =	vld.idx.msk [tilespmem:v62+s13+$0x0], $0xffff  }
0xaf: {  	vm0 =	vlt.f32 v6, v14;
	v6 =	vadd.f32 v9, v12;
	v7 =	vadd.f32 v11, v8  }
0xb0: {  	s24 =	simm.s32 $0x10;
	v15 =	vadd.s32 v26, v15;
	v30 =	vsel vm0, $0x1, v3;
	v11 =	vld.idx.msk [tilespmem:v24+s13+$0x0], $0xffff  }
0xb1: {  	s23 =	sand.u32 $0x70, s24;
	v8 =	vadd.f32 v8, v12;
	vm0 =	vlt.f32 v6, v14;
	v9 =	vadd.f32 v25, v7  }
0xb2: {  	v27 =	vmov s23;
	v5 =	vld.idx.msk [tilespmem:v5+s13+$0x0], $0xffff;
	v15 =	vadd.s32 v28, v15;
	v31 =	vsel vm0, $0x1, v3  }
0xb3: {  	vm0 =	vlt.f32 v8, v14;
	v7 =	vadd.f32 v7, v12;
	v6 =	vadd.f32 v10, v9  }
0xb4: {  	v16 =	vshll.u32 v27, $0x5;
	v15 =	vadd.s32 v29, v15;
	v8 =	vsel vm0, $0x1, v3  }
0xb5: {  	v10 =	vadd.s32 v30, v15;
	vm0 =	vlt.f32 v7, v14;
	v11 =	vadd.f32 v11, v6  }
0xb6: {  	v7 =	vadd.f32 v9, v12;
	v10 =	vadd.s32 v31, v10;
	v9 =	vsel vm0, $0x1, v3  }
0xb7: {  	v8 =	vadd.s32 v8, v10;
	v6 =	vadd.f32 v6, v12;
	v5 =	vadd.f32 v5, v11  }
0xb8: {  	s25 =	simm.s32 $0x6E30;
	vm0 =	vlt.f32 v7, v14;
	v8 =	vadd.s32 v9, v8;
	v7 =	vadd.f32 v11, v12  }
0xb9: {  	v9 =	vld [tilespmem:s25+$0x0];
	v10 =	vsel vm0, $0x1, v3;
	vm0 =	vlt.f32 v6, v14;
	v5 =	vadd.f32 v5, v12  }
0xba: {  	v6 =	vsel vm0, $0x1, v3;
	vm0 =	vlt.f32 v7, v14;
	v7 =	vadd.s32 v10, v8  }
0xbb: {  	s26 =	simm.s32 $0x200;
	v8 =	vsel vm0, $0x1, v3;
	vm0 =	vlt.f32 v5, v14;
	v5 =	vadd.s32 v6, v7  }
0xbc: {  	s23 =	sand.u32 $0xFFFFF000, s26;
	v6 =	vor.u32 v4, v16;
	v7 =	vsel vm0, $0x1, v3;
	v5 =	vadd.s32 v8, v5  }
0xbd: {  	v6 =	vor.u32 s23, v6;
	v5 =	vadd.s32 v7, v5  }
0xbe: {  	v7 =	vmul.u32 $0x190, v9;
	vm0 =	vlt.s32 v5, $0x18F  }
0xbf: {  	v8 =	vor.u32 $0x2, v6;
	v5 =	vnsel vm0, $0x18F, v5  }
0xc0: {  	s23 =	simm.s32 $0x7630;
	v5 =	vadd.s32 v7, v5  }
0xc1: {  	v7 =	vor.u32 $0x4, v6;
	[tilespmem:s23+$0x0] =	vst v5  }
0xc2: {  	v9 =	vor.u32 $0x6, v6;
	v5 =	vld.idx.msk [tilespmem:v6+s13+$0x0], $0xffff;
	_ =	sdelay $0x1  }
0xc3: {  	v10 =	vor.u32 $0x8, v6;
	v8 =	vld.idx.msk [tilespmem:v8+s13+$0x0], $0xffff;
	_ =	sdelay $0x1  }
0xc4: {  	v7 =	vld.idx.msk [tilespmem:v7+s13+$0x0], $0xffff  }
0xc5: {  	s24 =	simm.s32 $0x7240;
	v11 =	vor.u32 $0xA, v6;
	v9 =	vld.idx.msk [tilespmem:v9+s13+$0x0], $0xffff;
	v32 =	vadd.f32 $0.0e+00, v5  }
0xc6: {  	v33 =	vld [tilespmem:s24+$0x0]  }
0xc7: {  	s25 =	simm.s32 $0x7440;
	v34 =	vor.u32 $0xC, v6;
	v10 =	vld.idx.msk [tilespmem:v10+s13+$0x0], $0xffff;
	v8 =	vadd.f32 v8, v32  }
0xc8: {  	v5 =	vld [tilespmem:s25+$0x0]  }
0xc9: {  	v35 =	vor.u32 $0xE, v6;
	v7 =	vadd.f32 v7, v8  }
0xca: {  	s26 =	simm.s32 $0x7040;
	v11 =	vld.idx.msk [tilespmem:v11+s13+$0x0], $0xffff  }
0xcb: {  	v37 =	vor.u32 $0x10, v6;
	v36 =	vld [tilespmem:s26+$0x0];
	v12 =	vadd.f32 v32, v33;
	v9 =	vadd.f32 v9, v7  }
0xcc: {  	v38 =	vor.u32 $0x12, v6;
	v14 =	vld.idx.msk [tilespmem:v34+s13+$0x0], $0xffff  }
0xcd: {  	v8 =	vadd.f32 v8, v33;
	vm0 =	vlt.f32 v12, v5;
	v10 =	vadd.f32 v10, v9  }
0xce: {  	v41 =	vor.u32 $0x14, v6;
	v39 =	vld.idx.msk [tilespmem:v35+s13+$0x0], $0xffff;
	v40 =	vsel vm0, $0x1, v3  }
0xcf: {  	vm0 =	vlt.f32 v8, v5;
	v7 =	vadd.f32 v7, v33;
	v8 =	vadd.f32 v11, v10  }
0xd0: {  	v43 =	vor.u32 $0x16, v6;
	v42 =	vsel vm0, $0x1, v3;
	v15 =	vadd.s32 v40, v36;
	v11 =	vld.idx.msk [tilespmem:v37+s13+$0x0], $0xffff  }
0xd1: {  	vm0 =	vlt.f32 v7, v5;
	v7 =	vadd.f32 v9, v33;
	v9 =	vadd.f32 v14, v8  }
0xd2: {  	v46 =	vor.u32 $0x18, v6;
	v44 =	vld.idx.msk [tilespmem:v38+s13+$0x0], $0xffff;
	v15 =	vadd.s32 v42, v15;
	v45 =	vsel vm0, $0x1, v3  }
0xd3: {  	vm0 =	vlt.f32 v7, v5;
	v7 =	vadd.f32 v10, v33;
	v10 =	vadd.f32 v39, v9  }
0xd4: {  	v49 =	vor.u32 $0x1A, v6;
	v47 =	vld.idx.msk [tilespmem:v41+s13+$0x0], $0xffff;
	v15 =	vadd.s32 v45, v15;
	v48 =	vsel vm0, $0x1, v3  }
0xd5: {  	vm0 =	vlt.f32 v7, v5;
	v7 =	vadd.f32 v8, v33;
	v8 =	vadd.f32 v11, v10  }
0xd6: {  	v51 =	vor.u32 $0x1C, v6;
	v15 =	vadd.s32 v48, v15;
	v50 =	vsel vm0, $0x1, v3;
	v11 =	vld.idx.msk [tilespmem:v43+s13+$0x0], $0xffff  }
0xd7: {  	vm0 =	vlt.f32 v7, v5;
	v7 =	vadd.f32 v9, v33;
	v9 =	vadd.f32 v44, v8  }
0xd8: {  	s29 =	simm.s32 $0x20;
	v52 =	vld.idx.msk [tilespmem:v46+s13+$0x0], $0xffff;
	v6 =	vor.u32 $0x1E, v6;
	v15 =	vadd.s32 v50, v15;
	v53 =	vsel vm0, $0x1, v3  }
0xd9: {  	s28 =	sand.u32 $0x70, s29;
	vm0 =	vlt.f32 v7, v5;
	v7 =	vadd.f32 v10, v33;
	v10 =	vadd.f32 v47, v9  }
0xda: {  	v55 =	vmov s28;
	v54 =	vld.idx.msk [tilespmem:v49+s13+$0x0], $0xffff;
	v15 =	vadd.s32 v53, v15;
	v56 =	vsel vm0, $0x1, v3  }
0xdb: {  	vm0 =	vlt.f32 v7, v5;
	v8 =	vadd.f32 v8, v33;
	v11 =	vadd.f32 v11, v10  }
0xdc: {  	v57 =	vld.idx.msk [tilespmem:v51+s13+$0x0], $0xffff;
	v7 =	vshll.u32 v55, $0x5;
	v15 =	vadd.s32 v56, v15;
	v58 =	vsel vm0, $0x1, v3  }
0xdd: {  	vm0 =	vlt.f32 v8, v5;
	v8 =	vadd.f32 v9, v33;
	v9 =	vadd.f32 v52, v11  }
0xde: {  	v6 =	vld.idx.msk [tilespmem:v6+s13+$0x0], $0xffff;
	v15 =	vadd.s32 v58, v15;
	v59 =	vsel vm0, $0x1, v3;
	v10 =	vadd.f32 v10, v33  }
0xdf: {  	vm0 =	vlt.f32 v8, v5;
	v60 =	vadd.s32 v59, v15;
	v8 =	vadd.f32 v54, v9  }
0xe0: {  	v61 =	vsel vm0, $0x1, v3;
	vm0 =	vlt.f32 v10, v5;
	v10 =	vadd.f32 v11, v33  }
0xe1: {  	v12 =	vadd.s32 v61, v60;
	v11 =	vsel vm0, $0x1, v3;
	v62 =	vadd.f32 v57, v8  }
0xe2: {  	vm0 =	vlt.f32 v10, v5;
	v9 =	vadd.f32 v9, v33;
	v10 =	vadd.s32 v11, v12  }
0xe3: {  	v11 =	vsel vm0, $0x1, v3;
	v63 =	vadd.f32 v8, v33;
	v6 =	vadd.f32 v6, v62  }
0xe4: {  	s28 =	simm.s32 $0x6E40;
	vm0 =	vlt.f32 v9, v5;
	v10 =	vadd.s32 v11, v10;
	v9 =	vadd.f32 v62, v33  }
0xe5: {  	s30 =	simm.s32 $0x2;
	s31 =	simm.s32 $0x3;
	v8 =	vld [tilespmem:s28+$0x0];
	v11 =	vsel vm0, $0x1, v3;
	vm0 =	vlt.f32 v63, v5;
	v6 =	vadd.f32 v6, v33  }
.LBB2_4:
0xe6: {  	p0 =	sne.s32 s31, $0x1F;
	v12 =	vsel vm0, $0x1, v3;
	vm0 =	vlt.f32 v9, v5;
	v9 =	vadd.s32 v11, v10  }
0xe7: {  	s0 =	sshll.u32 s30, $0x9;
	s30 =	smov.u32 s31;
	v10 =	vsel vm0, $0x1, v3;
	vm0 =	vlt.f32 v6, v5;
	v5 =	vadd.s32 v12, v9  }
0xe8: {  	s0 =	sand.u32 $0xFFFFF000, s0;
	v6 =	vor.u32 v4, v7;
	v7 =	vsel vm0, $0x1, v3;
	v5 =	vadd.s32 v10, v5  }
0xe9: {  	v9 =	vor.u32 s0, v6;
	v5 =	vadd.s32 v7, v5  }
0xea: {  	vm0 =	vlt.s32 v5, $0x18F;
	v6 =	vmul.u32 $0x190, v8  }
0xeb: {  	v7 =	vor.u32 $0x2, v9;
	v5 =	vnsel vm0, $0x18F, v5  }
0xec: {  	s23 =	sadd.s32 $0x10, s23;
	v5 =	vadd.s32 v6, v5  }
0xed: {  	v6 =	vor.u32 $0x4, v9;
	[tilespmem:s23+$0x0] =	vst v5  }
0xee: {  	v5 =	vld.idx.msk [tilespmem:v9+s13+$0x0], $0xffff  }
0xef: {  	v8 =	vor.u32 $0x6, v9  }
0xf0: {  	v7 =	vld.idx.msk [tilespmem:v7+s13+$0x0], $0xffff  }
0xf1: {  	v10 =	vor.u32 $0x8, v9  }
0xf2: {  	v11 =	vld.idx.msk [tilespmem:v6+s13+$0x0], $0xffff  }
0xf3: {  	v12 =	vor.u32 $0xA, v9  }
0xf4: {  	s24 =	sadd.s32 $0x10, s24;
	v13 =	vadd.f32 $0.0e+00, v5;
	v8 =	vld.idx.msk [tilespmem:v8+s13+$0x0], $0xffff  }
0xf5: {  	v14 =	vor.u32 $0xC, v9;
	v6 =	vld [tilespmem:s24+$0x0]  }
0xf6: {  	s25 =	sadd.s32 $0x10, s25;
	v7 =	vadd.f32 v7, v13;
	v10 =	vld.idx.msk [tilespmem:v10+s13+$0x0], $0xffff  }
0xf7: {  	v15 =	vor.u32 $0xE, v9;
	v5 =	vld [tilespmem:s25+$0x0]  }
0xf8: {  	s26 =	sadd.s32 $0x10, s26;
	v11 =	vadd.f32 v11, v7;
	v12 =	vld.idx.msk [tilespmem:v12+s13+$0x0], $0xffff  }
0xf9: {  	v17 =	vor.u32 $0x10, v9;
	v16 =	vld [tilespmem:s26+$0x0]  }
0xfa: {  	v8 =	vadd.f32 v8, v11;
	v13 =	vadd.f32 v13, v6;
	v14 =	vld.idx.msk [tilespmem:v14+s13+$0x0], $0xffff  }
0xfb: {  	v18 =	vor.u32 $0x12, v9  }
0xfc: {  	v7 =	vadd.f32 v7, v6;
	v10 =	vadd.f32 v10, v8;
	vm0 =	vlt.f32 v13, v5;
	v13 =	vld.idx.msk [tilespmem:v15+s13+$0x0], $0xffff  }
0xfd: {  	v19 =	vor.u32 $0x14, v9;
	v15 =	vsel vm0, $0x1, v3  }
0xfe: {  	vm0 =	vlt.f32 v7, v5;
	v7 =	vadd.f32 v11, v6;
	v11 =	vadd.f32 v12, v10;
	v12 =	vld.idx.msk [tilespmem:v17+s13+$0x0], $0xffff  }
0xff: {  	v20 =	vor.u32 $0x16, v9;
	v17 =	vsel vm0, $0x1, v3;
	v15 =	vadd.s32 v15, v16  }
0x100: {  	vm0 =	vlt.f32 v7, v5;
	v7 =	vadd.f32 v8, v6;
	v8 =	vadd.f32 v14, v11;
	v14 =	vld.idx.msk [tilespmem:v18+s13+$0x0], $0xffff  }
0x101: {  	v15 =	vadd.s32 v17, v15;
	v16 =	vsel vm0, $0x1, v3;
	v18 =	vor.u32 $0x18, v9  }
0x102: {  	vm0 =	vlt.f32 v7, v5;
	v7 =	vadd.f32 v10, v6;
	v10 =	vadd.f32 v13, v8;
	v13 =	vld.idx.msk [tilespmem:v19+s13+$0x0], $0xffff  }
0x103: {  	v15 =	vadd.s32 v16, v15;
	v17 =	vsel vm0, $0x1, v3;
	v19 =	vor.u32 $0x1A, v9  }
0x104: {  	vm0 =	vlt.f32 v7, v5;
	v7 =	vadd.f32 v11, v6;
	v11 =	vadd.f32 v12, v10;
	v12 =	vld.idx.msk [tilespmem:v20+s13+$0x0], $0xffff  }
0x105: {  	v15 =	vadd.s32 v17, v15;
	v16 =	vsel vm0, $0x1, v3;
	v20 =	vor.u32 $0x1C, v9  }
0x106: {  	vm0 =	vlt.f32 v7, v5;
	v7 =	vadd.f32 v8, v6;
	v8 =	vadd.f32 v14, v11;
	v14 =	vld.idx.msk [tilespmem:v18+s13+$0x0], $0xffff  }
0x107: {  	s29 =	sadd.s32 $0x10, s29;
	v9 =	vor.u32 $0x1E, v9;
	v15 =	vadd.s32 v16, v15;
	v17 =	vsel vm0, $0x1, v3  }
0x108: {  	s0 =	sand.u32 $0x70, s29;
	vm0 =	vlt.f32 v7, v5;
	v7 =	vadd.f32 v10, v6;
	v10 =	vadd.f32 v13, v8;
	v13 =	vld.idx.msk [tilespmem:v19+s13+$0x0], $0xffff  }
0x109: {  	v16 =	vmov s0;
	v15 =	vadd.s32 v17, v15;
	v18 =	vsel vm0, $0x1, v3  }
0x10a: {  	v11 =	vadd.f32 v11, v6;
	vm0 =	vlt.f32 v7, v5;
	v12 =	vadd.f32 v12, v10;
	v17 =	vld.idx.msk [tilespmem:v20+s13+$0x0], $0xffff  }
0x10b: {  	v7 =	vshll.u32 v16, $0x5;
	v15 =	vadd.s32 v18, v15;
	v16 =	vsel vm0, $0x1, v3  }
0x10c: {  	v8 =	vadd.f32 v8, v6;
	vm0 =	vlt.f32 v11, v5;
	v11 =	vadd.f32 v14, v12;
	v9 =	vld.idx.msk [tilespmem:v9+s13+$0x0], $0xffff  }
0x10d: {  	v10 =	vadd.f32 v10, v6;
	v14 =	vsel vm0, $0x1, v3;
	v15 =	vadd.s32 v16, v15  }
0x10e: {  	vm0 =	vlt.f32 v8, v5;
	v8 =	vadd.f32 v13, v11;
	v13 =	vadd.s32 v14, v15  }
0x10f: {  	v14 =	vsel vm0, $0x1, v3;
	vm0 =	vlt.f32 v10, v5;
	v10 =	vadd.f32 v12, v6  }
.Ltmp1:
0x110: {  	v12 =	vsel vm0, $0x1, v3;
	v13 =	vadd.s32 v14, v13;
	v15 =	vadd.f32 v17, v8;
	(pc) =	sbr.rel @p0 .LBB2_4-.Ltmp1, $4  }
0x111: {  	vm0 =	vlt.f32 v10, v5;
	v10 =	vadd.f32 v11, v6;
	v11 =	vadd.s32 v12, v13  }
0x112: {  	v13 =	vadd.f32 v8, v6;
	v12 =	vsel vm0, $0x1, v3;
	v14 =	vadd.f32 v9, v15  }
0x113: {  	s28 =	sadd.s32 $0x10, s28;
	vm0 =	vlt.f32 v10, v5;
	v9 =	vadd.f32 v15, v6;
	v10 =	vadd.s32 v12, v11  }
0x114: {  	s31 =	sadd.s32 $0x1, s31;
	v11 =	vsel vm0, $0x1, v3;
	vm0 =	vlt.f32 v13, v5;
	v6 =	vadd.f32 v14, v6;
	v8 =	vld [tilespmem:s28+$0x0]  }
0x115: {  	v12 =	vsel vm0, $0x1, v3;
	vm8 =	vlt.f32 v9, v5;
	v25 =	vadd.s32 v11, v10  }
0x116: {  	s0 =	sshll.u32 s30, $0x9;
	v26 =	vsel vm8, $0x1, v3;
	vm9 =	vlt.f32 v6, v5;
	v5 =	vadd.s32 v12, v25  }
0x117: {  	s0 =	sand.u32 $0xFFFFF000, s0;
	v6 =	vor.u32 v4, v7;
	v7 =	vsel vm9, $0x1, v3;
	v5 =	vadd.s32 v26, v5  }
0x118: {  	v6 =	vor.u32 s0, v6;
	v5 =	vadd.s32 v7, v5  }
0x119: {  	vm10 =	vlt.s32 v5, $0x18F;
	v7 =	vmul.u32 $0x190, v8  }
0x11a: {  	v27 =	vor.u32 $0x2, v6;
	v5 =	vnsel vm10, $0x18F, v5  }
0x11b: {  	s23 =	sadd.s32 $0x10, s23;
	v5 =	vadd.s32 v7, v5  }
0x11c: {  	v7 =	vor.u32 $0x4, v6;
	[tilespmem:s23+$0x0] =	vst v5  }
0x11d: {  	v28 =	vor.u32 $0x6, v6;
	v5 =	vld.idx.msk [tilespmem:v6+s13+$0x0], $0xffff;
	_ =	sdelay $0x1  }
0x11e: {  	v29 =	vor.u32 $0x8, v6;
	v8 =	vld.idx.msk [tilespmem:v27+s13+$0x0], $0xffff;
	_ =	sdelay $0x1  }
0x11f: {  	v7 =	vld.idx.msk [tilespmem:v7+s13+$0x0], $0xffff  }
0x120: {  	s24 =	sadd.s32 $0x10, s24;
	v30 =	vor.u32 $0xA, v6;
	v9 =	vld.idx.msk [tilespmem:v28+s13+$0x0], $0xffff;
	v5 =	vadd.f32 $0.0e+00, v5  }
0x121: {  	v31 =	vld [tilespmem:s24+$0x0]  }
0x122: {  	s25 =	sadd.s32 $0x10, s25;
	v13 =	vor.u32 $0xC, v6;
	v10 =	vld.idx.msk [tilespmem:v29+s13+$0x0], $0xffff;
	v8 =	vadd.f32 v8, v5  }
0x123: {  	v14 =	vld [tilespmem:s25+$0x0]  }
0x124: {  	v15 =	vor.u32 $0xE, v6;
	v7 =	vadd.f32 v7, v8  }
0x125: {  	s29 =	sadd.s32 $0x10, s26;
	v11 =	vld.idx.msk [tilespmem:v30+s13+$0x0], $0xffff  }
0x126: {  	v17 =	vor.u32 $0x10, v6;
	v16 =	vld [tilespmem:s29+$0x0];
	v5 =	vadd.f32 v5, v31;
	v9 =	vadd.f32 v9, v7  }
0x127: {  	v18 =	vor.u32 $0x12, v6;
	v13 =	vld.idx.msk [tilespmem:v13+s13+$0x0], $0xffff  }
0x128: {  	vm11 =	vlt.f32 v5, v14;
	v5 =	vadd.f32 v8, v31;
	v32 =	vadd.f32 v10, v9  }
0x129: {  	v19 =	vor.u32 $0x14, v6;
	v33 =	vld.idx.msk [tilespmem:v15+s13+$0x0], $0xffff;
	v34 =	vsel vm11, $0x1, v3  }
0x12a: {  	vm12 =	vlt.f32 v5, v14;
	v5 =	vadd.f32 v7, v31;
	v7 =	vadd.f32 v11, v32  }
0x12b: {  	v20 =	vor.u32 $0x16, v6;
	v35 =	vld.idx.msk [tilespmem:v17+s13+$0x0], $0xffff;
	v15 =	vadd.s32 v34, v16;
	v36 =	vsel vm12, $0x1, v3  }
0x12c: {  	vm13 =	vlt.f32 v5, v14;
	v5 =	vadd.f32 v9, v31;
	v37 =	vadd.f32 v13, v7  }
0x12d: {  	v40 =	vor.u32 $0x18, v6;
	v38 =	vld.idx.msk [tilespmem:v18+s13+$0x0], $0xffff;
	v15 =	vadd.s32 v36, v15;
	v39 =	vsel vm13, $0x1, v3  }
0x12e: {  	vm14 =	vlt.f32 v5, v14;
	v5 =	vadd.f32 v32, v31;
	v41 =	vadd.f32 v33, v37  }
0x12f: {  	v44 =	vor.u32 $0x1A, v6;
	v42 =	vld.idx.msk [tilespmem:v19+s13+$0x0], $0xffff;
	v15 =	vadd.s32 v39, v15;
	v43 =	vsel vm14, $0x1, v3  }
0x130: {  	vm15 =	vlt.f32 v5, v14;
	v5 =	vadd.f32 v7, v31;
	v7 =	vadd.f32 v35, v41  }
0x131: {  	v47 =	vor.u32 $0x1C, v6;
	v45 =	vld.idx.msk [tilespmem:v20+s13+$0x0], $0xffff;
	v15 =	vadd.s32 v43, v15;
	v46 =	vsel vm15, $0x1, v3  }
0x132: {  	vm4 =	vlt.f32 v5, v14;
	v5 =	vadd.f32 v37, v31;
	v48 =	vadd.f32 v38, v7  }
0x133: {  	v49 =	vld.idx.msk [tilespmem:v40+s13+$0x0], $0xffff;
	v6 =	vor.u32 $0x1E, v6;
	v15 =	vadd.s32 v46, v15;
	v50 =	vsel vm4, $0x1, v3  }
0x134: {  	vm5 =	vlt.f32 v5, v14;
	v5 =	vadd.f32 v41, v31;
	v51 =	vadd.f32 v42, v48  }
0x135: {  	v52 =	vld.idx.msk [tilespmem:v44+s13+$0x0], $0xffff;
	v15 =	vadd.s32 v50, v15;
	v53 =	vsel vm5, $0x1, v3  }
0x136: {  	vm6 =	vlt.f32 v5, v14;
	v5 =	vadd.f32 v7, v31;
	v7 =	vadd.f32 v45, v51  }
0x137: {  	v54 =	vld.idx.msk [tilespmem:v47+s13+$0x0], $0xffff;
	v15 =	vadd.s32 v53, v15;
	v55 =	vsel vm6, $0x1, v3  }
0x138: {  	vm7 =	vlt.f32 v5, v14;
	v5 =	vadd.f32 v48, v31;
	v56 =	vadd.f32 v49, v7  }
0x139: {  	v6 =	vld.idx.msk [tilespmem:v6+s13+$0x0], $0xffff;
	v15 =	vadd.s32 v55, v15;
	v57 =	vsel vm7, $0x1, v3;
	v8 =	vadd.f32 v51, v31  }
0x13a: {  	vm8 =	vlt.f32 v5, v14;
	v58 =	vadd.s32 v57, v15;
	v5 =	vadd.f32 v52, v56  }
0x13b: {  	v59 =	vsel vm8, $0x1, v3;
	vm9 =	vlt.f32 v8, v14;
	v7 =	vadd.f32 v7, v31  }
0x13c: {  	v10 =	vadd.s32 v59, v58;
	v8 =	vsel vm9, $0x1, v3;
	v11 =	vadd.f32 v54, v5  }
0x13d: {  	vm10 =	vlt.f32 v7, v14;
	v7 =	vadd.f32 v56, v31;
	v8 =	vadd.s32 v8, v10  }
0x13e: {  	v60 =	vsel vm10, $0x1, v3;
	v5 =	vadd.f32 v5, v31;
	v6 =	vadd.f32 v6, v11  }
0x13f: {  	s30 =	sadd.s32 $0x10, s28;
	vm11 =	vlt.f32 v7, v14;
	v8 =	vadd.s32 v60, v8;
	v7 =	vadd.f32 v11, v31  }
0x140: {  	v61 =	vld [tilespmem:s30+$0x0];
	v62 =	vsel vm11, $0x1, v3;
	vm12 =	vlt.f32 v5, v14;
	v5 =	vadd.f32 v6, v31  }
0x141: {  	v6 =	vsel vm12, $0x1, v3;
	vm13 =	vlt.f32 v7, v14;
	v7 =	vadd.s32 v62, v8  }
0x142: {  	v63 =	vsel vm13, $0x1, v3;
	vm14 =	vlt.f32 v5, v14;
	v5 =	vadd.s32 v6, v7  }
0x143: {  	v6 =	vsel vm14, $0x1, v3;
	v5 =	vadd.s32 v63, v5  }
0x144: {  	v5 =	vadd.s32 v6, v5  }
0x145: {  	v6 =	vmul.u32 $0x190, v61;
	vm15 =	vlt.s32 v5, $0x18F  }
0x146: {  	s22 =	sadd.s32 $0x1, s22;
	v5 =	vnsel vm15, $0x18F, v5  }
0x147: {  	s31 =	sadd.s32 $0x10, s23;
	p0 =	sne.s32 s22, s8;
	v5 =	vadd.s32 v6, v5  }
.Ltmp2:
0x148: {  	[tilespmem:s31+$0x0] =	vst v5;
	(pc) =	sbr.rel @p0 .LBB2_1-.Ltmp2, $4  }
0x149: {  	[hbm4b:s7+s2] =	stream.linear.scatter [tilespmem:s21], [sflag:$0x2], $0x200, $0x38;
	[tilespmem:$0x7830] =	vst v63  }
0x14a: {  	_ =	swait.ge [sflag:s9], $0x200  }
0x14b: {  	[sflag:s9] =	ssyncset.done $0x0  }
0x14c: {  	[sflag:s9] =	ssyncadd.s32 $0xFFFFFE00  }
0x14d: {  	_ =	sfence.sel $0x180000  }
0x14e: {  	[bflag:$0x0] =	sbarrier.arrive $0xFFFF  }
0x14f: {  	_ =	strace $0x90000047  }
0x150: {  	[bflag:$0x2] =	sbarrier.arrive $0xFFFF  }
0x151: {  	p0 =	sne.s32 s1, $0x0;
	s0 =	rddreg [dreg:$0x2]  }
0x152: {  	s0 =	sadd.s32 @!p0 $0x100000, s0  }
0x153: {  	[sflag:s0] =	ssyncadd.tile.s32 @!p0 $0x1;
	_ =	shalt  }
.Lfunc_end2:
_tile_overlayer_lowered:
.L_overlay_start_2:
0x154: {  	(tag) =	ssettag $0x2  }
0x155: {  	s0 =	rddreg [dreg:$0x0];
	s2 =	stileid.u32  }
0x156: {  	s1 =	rddreg [dreg:$0x1];
	p0 =	sne.s32 s2, $0x0  }
0x157: {  	s3 =	rddreg [dreg:$0x2];
	[bflag:$0x3] =	sbarrier.arrive $0xFFFF;
	s2 =	simm.s32 @!p0 $0x1C02  }
0x158: {  	[timem:s3], [sflag:s2] =	dma.local @!p0 [hbm:s0], s1  }
0x159: {  	s0 =	simm.s32 @!p0 $0x2  }
0x15a: {  	_ =	swait.ge @!p0 [sflag:s0], s1  }
0x15b: {  	s1 =	ssub.s32 @!p0 $0x0, s1;
	[sflag:s0] =	ssyncset.done @!p0 $0x0  }
0x15c: {  	[sflag:s0] =	ssyncadd.s32 @!p0 s1  }
0x15d: {  	[bflag:$0x3] =	sbarrier.arrive $0xFFFF  }
0x15e: {  	_ =	shalt  }

</sc_bundles>
